<compile_context>
chip_gen: v7x
topology: tpu7x:2x2x1
jax: 0.10.2.dev20260603
libtpu: 0.0.44.dev20260713+nightly
codegen_flags: <defaults>
</compile_context>

<pallas_src>
import functools

import jax
import jax.numpy as jnp
from jax import lax
from jax.experimental import pallas as pl
from jax.experimental.pallas import tpu as pltpu
from jax.experimental.pallas import tpu_sc as plsc

N = 10000
E = 320000
F = 128
NPAD = 10240
NC, NS = 2, 16
NW = NC * NS
EPW = E // NW
CHUNK = 80
NCHUNK = EPW // CHUNK
RPT = NPAD // NS

_mesh = plsc.VectorSubcoreMesh(core_axis_name="c", subcore_axis_name="s")


def _sc_deg_body(dst_hbm, out_hbm, didx, ones_v, zrow, acc_sh):
    c = lax.axis_index("c")
    s = lax.axis_index("s")
    wid = s * NC + c
    base = wid * EPW
    for k in range(CHUNK // 16):
        ones_v[pl.ds(k * 16, 16)] = jnp.full((16,), 1.0, jnp.float32)
    for k in range(RPT // 16):
        zrow[pl.ds(k * 16, 16)] = jnp.zeros((16,), jnp.float32)
    pltpu.sync_copy(zrow, acc_sh.at[pl.ds(s * RPT, RPT)])
    plsc.subcore_barrier()

    def body(i, carry):
        pltpu.sync_copy(dst_hbm.at[pl.ds(base + i * CHUNK, CHUNK)], didx)
        pltpu.sync_copy(ones_v, acc_sh.at[didx], add=True)
        return carry

    lax.fori_loop(0, NCHUNK, body, 0)
    plsc.subcore_barrier()
    pltpu.sync_copy(acc_sh.at[pl.ds(s * RPT, RPT)], out_hbm.at[c, pl.ds(s * RPT, RPT)])


_sc_deg = pl.kernel(
    _sc_deg_body,
    out_type=jax.ShapeDtypeStruct((NC, NPAD), jnp.float32),
    mesh=_mesh,
    scratch_types=[
        pltpu.VMEM((CHUNK,), jnp.int32),
        pltpu.VMEM((CHUNK,), jnp.float32),
        pltpu.VMEM((RPT,), jnp.float32),
        pltpu.VMEM_SHARED((NPAD,), jnp.float32),
    ],
)


def _sc_agg_body(g_hbm, src_hbm, dst_hbm, out_hbm, sidx, didx, rows, zbuf, acc_sh, sem):
    c = lax.axis_index("c")
    s = lax.axis_index("s")
    wid = s * NC + c
    base = wid * EPW

    def zr(r, carry):
        for k in range(F // 16):
            zbuf[r, pl.ds(k * 16, 16)] = jnp.zeros((16,), jnp.float32)
        return carry

    lax.fori_loop(0, CHUNK, zr, 0)
    for j in range(RPT // CHUNK):
        pltpu.sync_copy(zbuf, acc_sh.at[pl.ds(s * RPT + j * CHUNK, CHUNK)])
    plsc.subcore_barrier()

    def body(i, carry):
        off = base + i * CHUNK
        pltpu.sync_copy(src_hbm.at[pl.ds(off, CHUNK)], sidx)
        pltpu.sync_copy(dst_hbm.at[pl.ds(off, CHUNK)], didx)
        pltpu.async_copy(g_hbm.at[sidx], rows, sem).wait()
        pltpu.sync_copy(rows, acc_sh.at[didx], add=True)
        return carry

    lax.fori_loop(0, NCHUNK, body, 0)
    plsc.subcore_barrier()
    pltpu.sync_copy(acc_sh.at[pl.ds(s * RPT, RPT)], out_hbm.at[c, pl.ds(s * RPT, RPT)])


_sc_agg = pl.kernel(
    _sc_agg_body,
    out_type=jax.ShapeDtypeStruct((NC, NPAD, F), jnp.float32),
    mesh=_mesh,
    scratch_types=[
        pltpu.VMEM((CHUNK,), jnp.int32),
        pltpu.VMEM((CHUNK,), jnp.int32),
        pltpu.VMEM((CHUNK, F), jnp.float32),
        pltpu.VMEM((CHUNK, F), jnp.float32),
        pltpu.VMEM_SHARED((NPAD, F), jnp.float32),
        pltpu.SemaphoreType.DMA,
    ],
)


def _tc_dinv_body(p_ref, o_ref):
    d = p_ref[0] + p_ref[1] + 1.0
    o_ref[...] = lax.rsqrt(d)


_tc_dinv = pl.pallas_call(
    _tc_dinv_body,
    out_shape=jax.ShapeDtypeStruct((NPAD // F, F), jnp.float32),
)

_R = 1000


def _tc_pre_body(x_ref, wp_ref, bp_ref, w1_ref, dv_ref, h0_ref, gs1_ref):
    h0 = jnp.dot(x_ref[...], wp_ref[...], preferred_element_type=jnp.float32)
    h0 = h0 + bp_ref[...]
    h0_ref[...] = h0
    g1 = jnp.dot(h0, w1_ref[...], preferred_element_type=jnp.float32)
    gs1_ref[...] = g1 * dv_ref[...]


_tc_pre = pl.pallas_call(
    _tc_pre_body,
    grid=(N // _R,),
    in_specs=[
        pl.BlockSpec((_R, F), lambda i: (i, 0)),
        pl.BlockSpec((F, F), lambda i: (0, 0)),
        pl.BlockSpec((1, F), lambda i: (0, 0)),
        pl.BlockSpec((F, F), lambda i: (0, 0)),
        pl.BlockSpec((_R, 1), lambda i: (i, 0)),
    ],
    out_specs=[
        pl.BlockSpec((_R, F), lambda i: (i, 0)),
        pl.BlockSpec((_R, F), lambda i: (i, 0)),
    ],
    out_shape=[
        jax.ShapeDtypeStruct((N, F), jnp.float32),
        jax.ShapeDtypeStruct((N, F), jnp.float32),
    ],
)


def _tc_mid_body(h0_ref, gs1_ref, a0_ref, a1_ref, dv_ref, b1_ref, w2_ref, u_ref, gs2_ref):
    u = h0_ref[...] + dv_ref[...] * (a0_ref[...] + a1_ref[...] + gs1_ref[...]) + b1_ref[...]
    u_ref[...] = u
    g2 = jnp.dot(u, w2_ref[...], preferred_element_type=jnp.float32)
    gs2_ref[...] = g2 * dv_ref[...]


_tc_mid = pl.pallas_call(
    _tc_mid_body,
    grid=(N // _R,),
    in_specs=[
        pl.BlockSpec((_R, F), lambda i: (i, 0)),
        pl.BlockSpec((_R, F), lambda i: (i, 0)),
        pl.BlockSpec((_R, F), lambda i: (i, 0)),
        pl.BlockSpec((_R, F), lambda i: (i, 0)),
        pl.BlockSpec((_R, 1), lambda i: (i, 0)),
        pl.BlockSpec((1, F), lambda i: (0, 0)),
        pl.BlockSpec((F, F), lambda i: (0, 0)),
    ],
    out_specs=[
        pl.BlockSpec((_R, F), lambda i: (i, 0)),
        pl.BlockSpec((_R, F), lambda i: (i, 0)),
    ],
    out_shape=[
        jax.ShapeDtypeStruct((N, F), jnp.float32),
        jax.ShapeDtypeStruct((N, F), jnp.float32),
    ],
)


def _tc_fin_body(u_ref, gs2_ref, a0_ref, a1_ref, dv_ref, b2_ref, o_ref):
    t = u_ref[...] + dv_ref[...] * (a0_ref[...] + a1_ref[...] + gs2_ref[...]) + b2_ref[...]
    o_ref[...] = jnp.where(t >= 0, t, 0.1 * t)


_tc_fin = pl.pallas_call(
    _tc_fin_body,
    grid=(N // _R,),
    in_specs=[
        pl.BlockSpec((_R, F), lambda i: (i, 0)),
        pl.BlockSpec((_R, F), lambda i: (i, 0)),
        pl.BlockSpec((_R, F), lambda i: (i, 0)),
        pl.BlockSpec((_R, F), lambda i: (i, 0)),
        pl.BlockSpec((_R, 1), lambda i: (i, 0)),
        pl.BlockSpec((1, F), lambda i: (0, 0)),
    ],
    out_specs=pl.BlockSpec((_R, F), lambda i: (i, 0)),
    out_shape=jax.ShapeDtypeStruct((N, F), jnp.float32),
)


def kernel(x, edge_index, W_pre, b_pre, W1, b1, W2, b2):
    src = edge_index[0].astype(jnp.int32)
    dst = edge_index[1].astype(jnp.int32)
    degp = _sc_deg(dst)
    dinv2d = _tc_dinv(degp.reshape(NC, NPAD // F, F))
    dinv = dinv2d.reshape(NPAD, 1)[:N]
    h0, gs1 = _tc_pre(x, W_pre, b_pre.reshape(1, F), W1, dinv)
    agg1 = _sc_agg(gs1, src, dst)
    u, gs2 = _tc_mid(h0, gs1, agg1[0, :N], agg1[1, :N], dinv, b1.reshape(1, F), W2)
    agg2 = _sc_agg(gs2, src, dst)
    return _tc_fin(u, gs2, agg2[0, :N], agg2[1, :N], dinv, b2.reshape(1, F))

# --- scband reference (transcript-rebuilt; emitter-appended) ---
"""Pipeline reference for scband-first-encoder-1941325218150 (READ-ONLY COPY).

The authoritative reference and input builder live on the scoring server;
editing this copy changes nothing except your own understanding.
"""

import jax, jax.numpy as jnp
import numpy as np

N_NODES = 10000
N_EDGES = 320000
INPUT_SIZE = 128
FEATURES_SIZE = 128


def setup_inputs(seed: int = 0) -> dict:
    key = jax.random.key(seed)
    ks = jax.random.split(key, 8)
    x = jax.random.normal(ks[0], (N_NODES, INPUT_SIZE), dtype=jnp.float32)
    edge_index = jax.random.randint(ks[1], (2, N_EDGES), 0, N_NODES, dtype=jnp.int64)
    # preprocess Linear(input_size, features_size)
    W_pre = jax.random.normal(ks[2], (INPUT_SIZE, FEATURES_SIZE), dtype=jnp.float32) * (1.0 / np.sqrt(INPUT_SIZE))
    b_pre = jnp.zeros((FEATURES_SIZE,), dtype=jnp.float32)
    # GCNConv(features_size, features_size) x2
    W1 = jax.random.normal(ks[3], (FEATURES_SIZE, FEATURES_SIZE), dtype=jnp.float32) * (1.0 / np.sqrt(FEATURES_SIZE))
    b1 = jnp.zeros((FEATURES_SIZE,), dtype=jnp.float32)
    W2 = jax.random.normal(ks[4], (FEATURES_SIZE, FEATURES_SIZE), dtype=jnp.float32) * (1.0 / np.sqrt(FEATURES_SIZE))
    b2 = jnp.zeros((FEATURES_SIZE,), dtype=jnp.float32)
    return {"x": x, "edge_index": edge_index, "W_pre": W_pre, "b_pre": b_pre, "W1": W1, "b1": b1, "W2": W2, "b2": b2}


def gcn_conv(x, edge_index, W, b):
    # Faithful PyG GCNConv: add self-loops, symmetric normalization D^-1/2 (A+I) D^-1/2 X W + b
    N = x.shape[0]
    loop = jnp.arange(N, dtype=edge_index.dtype)
    src = jnp.concatenate([edge_index[0], loop])
    dst = jnp.concatenate([edge_index[1], loop])
    deg = jnp.zeros((N,), dtype=x.dtype).at[dst].add(1.0)
    deg_inv_sqrt = jnp.where(deg > 0, jax.lax.rsqrt(deg), 0.0)
    norm = deg_inv_sqrt[src] * deg_inv_sqrt[dst]
    h = x @ W
    msg = h[src] * norm[:, None]
    out = jnp.zeros((N, h.shape[1]), dtype=x.dtype).at[dst].add(msg)
    return out + b


def leaky_relu(x, slope=0.1):
    return jnp.where(x >= 0, x, slope * x)


def reference(x, edge_index, W_pre, b_pre, W1, b1, W2, b2):
    # preprocess
    h = x @ W_pre + b_pre
    h1 = gcn_conv(h, edge_index, W1, b1)
    h = h + h1
    h2 = gcn_conv(h, edge_index, W2, b2)
    h = h + h2
    h = leaky_relu(h, 0.1)
    return h

if __name__ == "__main__":
    import jax
    _d = setup_inputs()
    print(jax.jit(kernel)(*tuple(_d.values())))

</pallas_src>

<mosaic_0001>
#map = affine_map<(d0, d1) -> (0)>
#map1 = affine_map<(d0, d1) -> (0, 0)>
module attributes {stable_mosaic.version = 14 : i64} {
  func.func @_sc_deg_body(%arg0: i32, %arg1: i32, %arg2: memref<320000xi32, #tpu.memory_space<hbm>>, %arg3: memref<2x10240xf32, #tpu.memory_space<hbm>>, %arg4: memref<80xi32, #tpu.memory_space<vmem>>, %arg5: memref<80xf32, #tpu.memory_space<vmem>>, %arg6: memref<640xf32, #tpu.memory_space<vmem>>, %arg7: memref<10240xf32, #tpu.memory_space<vmem_shared>>) attributes {dimension_semantics = [#tpu.dimension_semantics<core_parallel>, #tpu.dimension_semantics<subcore_parallel>], iteration_bounds = array<i64: 2, 16>, scalar_prefetch = 0 : i64, scratch_operands = 4 : i64, tpu.core_type = #tpu.core_type<sc_vector_subcore>, window_params = [{transform_indices = #map}, {transform_indices = #map1}]} {
    %mul3A = arith.constant 2 : i32
    %mul3A_0 = arith.muli %arg1, %mul3A : i32
    %add3A = arith.addi %mul3A_0, %arg0 : i32
    %mul3A_1 = arith.constant 10000 : i32
    %mul3A_2 = arith.muli %add3A, %mul3A_1 : i32
    %broadcast_in_dim3A = arith.constant 1.000000e+00 : f32
    %broadcast_in_dim3A_3 = vector.broadcast %broadcast_in_dim3A : f32 to vector<16xf32>
    %swap3A = arith.constant 0 : index
    %swap3A_4 = tpu.vector_load %arg5[%swap3A] {strides = array<i32>} : memref<80xf32, #tpu.memory_space<vmem>>, vector<16xf32>,
    %swap3A_5 = vector.shape_cast %swap3A_4 : vector<16xf32> to vector<16xf32>
    %swap3A_6 = vector.shape_cast %broadcast_in_dim3A_3 : vector<16xf32> to vector<16xf32>
    tpu.vector_store %arg5[%swap3A], %swap3A_6 {strides = array<i32>} : memref<80xf32, #tpu.memory_space<vmem>>, vector<16xf32>,
    %broadcast_in_dim3A_7 = arith.constant 1.000000e+00 : f32
    %broadcast_in_dim3A_8 = vector.broadcast %broadcast_in_dim3A_7 : f32 to vector<16xf32>
    %swap3A_9 = arith.constant 16 : index
    %swap3A_10 = tpu.vector_load %arg5[%swap3A_9] {strides = array<i32>} : memref<80xf32, #tpu.memory_space<vmem>>, vector<16xf32>,
    %swap3A_11 = vector.shape_cast %swap3A_10 : vector<16xf32> to vector<16xf32>
    %swap3A_12 = vector.shape_cast %broadcast_in_dim3A_8 : vector<16xf32> to vector<16xf32>
    tpu.vector_store %arg5[%swap3A_9], %swap3A_12 {strides = array<i32>} : memref<80xf32, #tpu.memory_space<vmem>>, vector<16xf32>,
    %broadcast_in_dim3A_13 = arith.constant 1.000000e+00 : f32
    %broadcast_in_dim3A_14 = vector.broadcast %broadcast_in_dim3A_13 : f32 to vector<16xf32>
    %swap3A_15 = arith.constant 32 : index
    %swap3A_16 = tpu.vector_load %arg5[%swap3A_15] {strides = array<i32>} : memref<80xf32, #tpu.memory_space<vmem>>, vector<16xf32>,
    %swap3A_17 = vector.shape_cast %swap3A_16 : vector<16xf32> to vector<16xf32>
    %swap3A_18 = vector.shape_cast %broadcast_in_dim3A_14 : vector<16xf32> to vector<16xf32>
    tpu.vector_store %arg5[%swap3A_15], %swap3A_18 {strides = array<i32>} : memref<80xf32, #tpu.memory_space<vmem>>, vector<16xf32>,
    %broadcast_in_dim3A_19 = arith.constant 1.000000e+00 : f32
    %broadcast_in_dim3A_20 = vector.broadcast %broadcast_in_dim3A_19 : f32 to vector<16xf32>
    %swap3A_21 = arith.constant 48 : index
    %swap3A_22 = tpu.vector_load %arg5[%swap3A_21] {strides = array<i32>} : memref<80xf32, #tpu.memory_space<vmem>>, vector<16xf32>,
    %swap3A_23 = vector.shape_cast %swap3A_22 : vector<16xf32> to vector<16xf32>
    %swap3A_24 = vector.shape_cast %broadcast_in_dim3A_20 : vector<16xf32> to vector<16xf32>
    tpu.vector_store %arg5[%swap3A_21], %swap3A_24 {strides = array<i32>} : memref<80xf32, #tpu.memory_space<vmem>>, vector<16xf32>,
    %broadcast_in_dim3A_25 = arith.constant 1.000000e+00 : f32
    %broadcast_in_dim3A_26 = vector.broadcast %broadcast_in_dim3A_25 : f32 to vector<16xf32>
    %swap3A_27 = arith.constant 64 : index
    %swap3A_28 = tpu.vector_load %arg5[%swap3A_27] {strides = array<i32>} : memref<80xf32, #tpu.memory_space<vmem>>, vector<16xf32>,
    %swap3A_29 = vector.shape_cast %swap3A_28 : vector<16xf32> to vector<16xf32>
    %swap3A_30 = vector.shape_cast %broadcast_in_dim3A_26 : vector<16xf32> to vector<16xf32>
    tpu.vector_store %arg5[%swap3A_27], %swap3A_30 {strides = array<i32>} : memref<80xf32, #tpu.memory_space<vmem>>, vector<16xf32>,
    %broadcast_in_dim3A_31 = arith.constant 0.000000e+00 : f32
    %broadcast_in_dim3A_32 = vector.broadcast %broadcast_in_dim3A_31 : f32 to vector<16xf32>
    %swap3A_33 = arith.constant 0 : index
    %swap3A_34 = tpu.vector_load %arg6[%swap3A_33] {strides = array<i32>} : memref<640xf32, #tpu.memory_space<vmem>>, vector<16xf32>,
    %swap3A_35 = vector.shape_cast %swap3A_34 : vector<16xf32> to vector<16xf32>
    %swap3A_36 = vector.shape_cast %broadcast_in_dim3A_32 : vector<16xf32> to vector<16xf32>
    tpu.vector_store %arg6[%swap3A_33], %swap3A_36 {strides = array<i32>} : memref<640xf32, #tpu.memory_space<vmem>>, vector<16xf32>,
    %broadcast_in_dim3A_37 = arith.constant 0.000000e+00 : f32
    %broadcast_in_dim3A_38 = vector.broadcast %broadcast_in_dim3A_37 : f32 to vector<16xf32>
    %swap3A_39 = arith.constant 16 : index
    %swap3A_40 = tpu.vector_load %arg6[%swap3A_39] {strides = array<i32>} : memref<640xf32, #tpu.memory_space<vmem>>, vector<16xf32>,
    %swap3A_41 = vector.shape_cast %swap3A_40 : vector<16xf32> to vector<16xf32>
    %swap3A_42 = vector.shape_cast %broadcast_in_dim3A_38 : vector<16xf32> to vector<16xf32>
    tpu.vector_store %arg6[%swap3A_39], %swap3A_42 {strides = array<i32>} : memref<640xf32, #tpu.memory_space<vmem>>, vector<16xf32>,
    %broadcast_in_dim3A_43 = arith.constant 0.000000e+00 : f32
    %broadcast_in_dim3A_44 = vector.broadcast %broadcast_in_dim3A_43 : f32 to vector<16xf32>
    %swap3A_45 = arith.constant 32 : index
    %swap3A_46 = tpu.vector_load %arg6[%swap3A_45] {strides = array<i32>} : memref<640xf32, #tpu.memory_space<vmem>>, vector<16xf32>,
    %swap3A_47 = vector.shape_cast %swap3A_46 : vector<16xf32> to vector<16xf32>
    %swap3A_48 = vector.shape_cast %broadcast_in_dim3A_44 : vector<16xf32> to vector<16xf32>
    tpu.vector_store %arg6[%swap3A_45], %swap3A_48 {strides = array<i32>} : memref<640xf32, #tpu.memory_space<vmem>>, vector<16xf32>,
    %broadcast_in_dim3A_49 = arith.constant 0.000000e+00 : f32
    %broadcast_in_dim3A_50 = vector.broadcast %broadcast_in_dim3A_49 : f32 to vector<16xf32>
    %swap3A_51 = arith.constant 48 : index
    %swap3A_52 = tpu.vector_load %arg6[%swap3A_51] {strides = array<i32>} : memref<640xf32, #tpu.memory_space<vmem>>, vector<16xf32>,
    %swap3A_53 = vector.shape_cast %swap3A_52 : vector<16xf32> to vector<16xf32>
    %swap3A_54 = vector.shape_cast %broadcast_in_dim3A_50 : vector<16xf32> to vector<16xf32>
    tpu.vector_store %arg6[%swap3A_51], %swap3A_54 {strides = array<i32>} : memref<640xf32, #tpu.memory_space<vmem>>, vector<16xf32>,
    %broadcast_in_dim3A_55 = arith.constant 0.000000e+00 : f32
    %broadcast_in_dim3A_56 = vector.broadcast %broadcast_in_dim3A_55 : f32 to vector<16xf32>
    %swap3A_57 = arith.constant 64 : index
    %swap3A_58 = tpu.vector_load %arg6[%swap3A_57] {strides = array<i32>} : memref<640xf32, #tpu.memory_space<vmem>>, vector<16xf32>,
    %swap3A_59 = vector.shape_cast %swap3A_58 : vector<16xf32> to vector<16xf32>
    %swap3A_60 = vector.shape_cast %broadcast_in_dim3A_56 : vector<16xf32> to vector<16xf32>
    tpu.vector_store %arg6[%swap3A_57], %swap3A_60 {strides = array<i32>} : memref<640xf32, #tpu.memory_space<vmem>>, vector<16xf32>,
    %broadcast_in_dim3A_61 = arith.constant 0.000000e+00 : f32
    %broadcast_in_dim3A_62 = vector.broadcast %broadcast_in_dim3A_61 : f32 to vector<16xf32>
    %swap3A_63 = arith.constant 80 : index
    %swap3A_64 = tpu.vector_load %arg6[%swap3A_63] {strides = array<i32>} : memref<640xf32, #tpu.memory_space<vmem>>, vector<16xf32>,
    %swap3A_65 = vector.shape_cast %swap3A_64 : vector<16xf32> to vector<16xf32>
    %swap3A_66 = vector.shape_cast %broadcast_in_dim3A_62 : vector<16xf32> to vector<16xf32>
    tpu.vector_store %arg6[%swap3A_63], %swap3A_66 {strides = array<i32>} : memref<640xf32, #tpu.memory_space<vmem>>, vector<16xf32>,
    %broadcast_in_dim3A_67 = arith.constant 0.000000e+00 : f32
    %broadcast_in_dim3A_68 = vector.broadcast %broadcast_in_dim3A_67 : f32 to vector<16xf32>
    %swap3A_69 = arith.constant 96 : index
    %swap3A_70 = tpu.vector_load %arg6[%swap3A_69] {strides = array<i32>} : memref<640xf32, #tpu.memory_space<vmem>>, vector<16xf32>,
    %swap3A_71 = vector.shape_cast %swap3A_70 : vector<16xf32> to vector<16xf32>
    %swap3A_72 = vector.shape_cast %broadcast_in_dim3A_68 : vector<16xf32> to vector<16xf32>
    tpu.vector_store %arg6[%swap3A_69], %swap3A_72 {strides = array<i32>} : memref<640xf32, #tpu.memory_space<vmem>>, vector<16xf32>,
    %broadcast_in_dim3A_73 = arith.constant 0.000000e+00 : f32
    %broadcast_in_dim3A_74 = vector.broadcast %broadcast_in_dim3A_73 : f32 to vector<16xf32>
    %swap3A_75 = arith.constant 112 : index
    %swap3A_76 = tpu.vector_load %arg6[%swap3A_75] {strides = array<i32>} : memref<640xf32, #tpu.memory_space<vmem>>, vector<16xf32>,
    %swap3A_77 = vector.shape_cast %swap3A_76 : vector<16xf32> to vector<16xf32>
    %swap3A_78 = vector.shape_cast %broadcast_in_dim3A_74 : vector<16xf32> to vector<16xf32>
    tpu.vector_store %arg6[%swap3A_75], %swap3A_78 {strides = array<i32>} : memref<640xf32, #tpu.memory_space<vmem>>, vector<16xf32>,
    %broadcast_in_dim3A_79 = arith.constant 0.000000e+00 : f32
    %broadcast_in_dim3A_80 = vector.broadcast %broadcast_in_dim3A_79 : f32 to vector<16xf32>
    %swap3A_81 = arith.constant 128 : index
    %swap3A_82 = tpu.vector_load %arg6[%swap3A_81] {strides = array<i32>} : memref<640xf32, #tpu.memory_space<vmem>>, vector<16xf32>,
    %swap3A_83 = vector.shape_cast %swap3A_82 : vector<16xf32> to vector<16xf32>
    %swap3A_84 = vector.shape_cast %broadcast_in_dim3A_80 : vector<16xf32> to vector<16xf32>
    tpu.vector_store %arg6[%swap3A_81], %swap3A_84 {strides = array<i32>} : memref<640xf32, #tpu.memory_space<vmem>>, vector<16xf32>,
    %broadcast_in_dim3A_85 = arith.constant 0.000000e+00 : f32
    %broadcast_in_dim3A_86 = vector.broadcast %broadcast_in_dim3A_85 : f32 to vector<16xf32>
    %swap3A_87 = arith.constant 144 : index
    %swap3A_88 = tpu.vector_load %arg6[%swap3A_87] {strides = array<i32>} : memref<640xf32, #tpu.memory_space<vmem>>, vector<16xf32>,
    %swap3A_89 = vector.shape_cast %swap3A_88 : vector<16xf32> to vector<16xf32>
    %swap3A_90 = vector.shape_cast %broadcast_in_dim3A_86 : vector<16xf32> to vector<16xf32>
    tpu.vector_store %arg6[%swap3A_87], %swap3A_90 {strides = array<i32>} : memref<640xf32, #tpu.memory_space<vmem>>, vector<16xf32>,
    %broadcast_in_dim3A_91 = arith.constant 0.000000e+00 : f32
    %broadcast_in_dim3A_92 = vector.broadcast %broadcast_in_dim3A_91 : f32 to vector<16xf32>
    %swap3A_93 = arith.constant 160 : index
    %swap3A_94 = tpu.vector_load %arg6[%swap3A_93] {strides = array<i32>} : memref<640xf32, #tpu.memory_space<vmem>>, vector<16xf32>,
    %swap3A_95 = vector.shape_cast %swap3A_94 : vector<16xf32> to vector<16xf32>
    %swap3A_96 = vector.shape_cast %broadcast_in_dim3A_92 : vector<16xf32> to vector<16xf32>
    tpu.vector_store %arg6[%swap3A_93], %swap3A_96 {strides = array<i32>} : memref<640xf32, #tpu.memory_space<vmem>>, vector<16xf32>,
    %broadcast_in_dim3A_97 = arith.constant 0.000000e+00 : f32
    %broadcast_in_dim3A_98 = vector.broadcast %broadcast_in_dim3A_97 : f32 to vector<16xf32>
    %swap3A_99 = arith.constant 176 : index
    %swap3A_100 = tpu.vector_load %arg6[%swap3A_99] {strides = array<i32>} : memref<640xf32, #tpu.memory_space<vmem>>, vector<16xf32>,
    %swap3A_101 = vector.shape_cast %swap3A_100 : vector<16xf32> to vector<16xf32>
    %swap3A_102 = vector.shape_cast %broadcast_in_dim3A_98 : vector<16xf32> to vector<16xf32>
    tpu.vector_store %arg6[%swap3A_99], %swap3A_102 {strides = array<i32>} : memref<640xf32, #tpu.memory_space<vmem>>, vector<16xf32>,
    %broadcast_in_dim3A_103 = arith.constant 0.000000e+00 : f32
    %broadcast_in_dim3A_104 = vector.broadcast %broadcast_in_dim3A_103 : f32 to vector<16xf32>
    %swap3A_105 = arith.constant 192 : index
    %swap3A_106 = tpu.vector_load %arg6[%swap3A_105] {strides = array<i32>} : memref<640xf32, #tpu.memory_space<vmem>>, vector<16xf32>,
    %swap3A_107 = vector.shape_cast %swap3A_106 : vector<16xf32> to vector<16xf32>
    %swap3A_108 = vector.shape_cast %broadcast_in_dim3A_104 : vector<16xf32> to vector<16xf32>
    tpu.vector_store %arg6[%swap3A_105], %swap3A_108 {strides = array<i32>} : memref<640xf32, #tpu.memory_space<vmem>>, vector<16xf32>,
    %broadcast_in_dim3A_109 = arith.constant 0.000000e+00 : f32
    %broadcast_in_dim3A_110 = vector.broadcast %broadcast_in_dim3A_109 : f32 to vector<16xf32>
    %swap3A_111 = arith.constant 208 : index
    %swap3A_112 = tpu.vector_load %arg6[%swap3A_111] {strides = array<i32>} : memref<640xf32, #tpu.memory_space<vmem>>, vector<16xf32>,
    %swap3A_113 = vector.shape_cast %swap3A_112 : vector<16xf32> to vector<16xf32>
    %swap3A_114 = vector.shape_cast %broadcast_in_dim3A_110 : vector<16xf32> to vector<16xf32>
    tpu.vector_store %arg6[%swap3A_111], %swap3A_114 {strides = array<i32>} : memref<640xf32, #tpu.memory_space<vmem>>, vector<16xf32>,
    %broadcast_in_dim3A_115 = arith.constant 0.000000e+00 : f32
    %broadcast_in_dim3A_116 = vector.broadcast %broadcast_in_dim3A_115 : f32 to vector<16xf32>
    %swap3A_117 = arith.constant 224 : index
    %swap3A_118 = tpu.vector_load %arg6[%swap3A_117] {strides = array<i32>} : memref<640xf32, #tpu.memory_space<vmem>>, vector<16xf32>,
    %swap3A_119 = vector.shape_cast %swap3A_118 : vector<16xf32> to vector<16xf32>
    %swap3A_120 = vector.shape_cast %broadcast_in_dim3A_116 : vector<16xf32> to vector<16xf32>
    tpu.vector_store %arg6[%swap3A_117], %swap3A_120 {strides = array<i32>} : memref<640xf32, #tpu.memory_space<vmem>>, vector<16xf32>,
    %broadcast_in_dim3A_121 = arith.constant 0.000000e+00 : f32
    %broadcast_in_dim3A_122 = vector.broadcast %broadcast_in_dim3A_121 : f32 to vector<16xf32>
    %swap3A_123 = arith.constant 240 : index
    %swap3A_124 = tpu.vector_load %arg6[%swap3A_123] {strides = array<i32>} : memref<640xf32, #tpu.memory_space<vmem>>, vector<16xf32>,
    %swap3A_125 = vector.shape_cast %swap3A_124 : vector<16xf32> to vector<16xf32>
    %swap3A_126 = vector.shape_cast %broadcast_in_dim3A_122 : vector<16xf32> to vector<16xf32>
    tpu.vector_store %arg6[%swap3A_123], %swap3A_126 {strides = array<i32>} : memref<640xf32, #tpu.memory_space<vmem>>, vector<16xf32>,
    %broadcast_in_dim3A_127 = arith.constant 0.000000e+00 : f32
    %broadcast_in_dim3A_128 = vector.broadcast %broadcast_in_dim3A_127 : f32 to vector<16xf32>
    %swap3A_129 = arith.constant 256 : index
    %swap3A_130 = tpu.vector_load %arg6[%swap3A_129] {strides = array<i32>} : memref<640xf32, #tpu.memory_space<vmem>>, vector<16xf32>,
    %swap3A_131 = vector.shape_cast %swap3A_130 : vector<16xf32> to vector<16xf32>
    %swap3A_132 = vector.shape_cast %broadcast_in_dim3A_128 : vector<16xf32> to vector<16xf32>
    tpu.vector_store %arg6[%swap3A_129], %swap3A_132 {strides = array<i32>} : memref<640xf32, #tpu.memory_space<vmem>>, vector<16xf32>,
    %broadcast_in_dim3A_133 = arith.constant 0.000000e+00 : f32
    %broadcast_in_dim3A_134 = vector.broadcast %broadcast_in_dim3A_133 : f32 to vector<16xf32>
    %swap3A_135 = arith.constant 272 : index
    %swap3A_136 = tpu.vector_load %arg6[%swap3A_135] {strides = array<i32>} : memref<640xf32, #tpu.memory_space<vmem>>, vector<16xf32>,
    %swap3A_137 = vector.shape_cast %swap3A_136 : vector<16xf32> to vector<16xf32>
    %swap3A_138 = vector.shape_cast %broadcast_in_dim3A_134 : vector<16xf32> to vector<16xf32>
    tpu.vector_store %arg6[%swap3A_135], %swap3A_138 {strides = array<i32>} : memref<640xf32, #tpu.memory_space<vmem>>, vector<16xf32>,
    %broadcast_in_dim3A_139 = arith.constant 0.000000e+00 : f32
    %broadcast_in_dim3A_140 = vector.broadcast %broadcast_in_dim3A_139 : f32 to vector<16xf32>
    %swap3A_141 = arith.constant 288 : index
    %swap3A_142 = tpu.vector_load %arg6[%swap3A_141] {strides = array<i32>} : memref<640xf32, #tpu.memory_space<vmem>>, vector<16xf32>,
    %swap3A_143 = vector.shape_cast %swap3A_142 : vector<16xf32> to vector<16xf32>
    %swap3A_144 = vector.shape_cast %broadcast_in_dim3A_140 : vector<16xf32> to vector<16xf32>
    tpu.vector_store %arg6[%swap3A_141], %swap3A_144 {strides = array<i32>} : memref<640xf32, #tpu.memory_space<vmem>>, vector<16xf32>,
    %broadcast_in_dim3A_145 = arith.constant 0.000000e+00 : f32
    %broadcast_in_dim3A_146 = vector.broadcast %broadcast_in_dim3A_145 : f32 to vector<16xf32>
    %swap3A_147 = arith.constant 304 : index
    %swap3A_148 = tpu.vector_load %arg6[%swap3A_147] {strides = array<i32>} : memref<640xf32, #tpu.memory_space<vmem>>, vector<16xf32>,
    %swap3A_149 = vector.shape_cast %swap3A_148 : vector<16xf32> to vector<16xf32>
    %swap3A_150 = vector.shape_cast %broadcast_in_dim3A_146 : vector<16xf32> to vector<16xf32>
    tpu.vector_store %arg6[%swap3A_147], %swap3A_150 {strides = array<i32>} : memref<640xf32, #tpu.memory_space<vmem>>, vector<16xf32>,
    %broadcast_in_dim3A_151 = arith.constant 0.000000e+00 : f32
    %broadcast_in_dim3A_152 = vector.broadcast %broadcast_in_dim3A_151 : f32 to vector<16xf32>
    %swap3A_153 = arith.constant 320 : index
    %swap3A_154 = tpu.vector_load %arg6[%swap3A_153] {strides = array<i32>} : memref<640xf32, #tpu.memory_space<vmem>>, vector<16xf32>,
    %swap3A_155 = vector.shape_cast %swap3A_154 : vector<16xf32> to vector<16xf32>
    %swap3A_156 = vector.shape_cast %broadcast_in_dim3A_152 : vector<16xf32> to vector<16xf32>
    tpu.vector_store %arg6[%swap3A_153], %swap3A_156 {strides = array<i32>} : memref<640xf32, #tpu.memory_space<vmem>>, vector<16xf32>,
    %broadcast_in_dim3A_157 = arith.constant 0.000000e+00 : f32
    %broadcast_in_dim3A_158 = vector.broadcast %broadcast_in_dim3A_157 : f32 to vector<16xf32>
    %swap3A_159 = arith.constant 336 : index
    %swap3A_160 = tpu.vector_load %arg6[%swap3A_159] {strides = array<i32>} : memref<640xf32, #tpu.memory_space<vmem>>, vector<16xf32>,
    %swap3A_161 = vector.shape_cast %swap3A_160 : vector<16xf32> to vector<16xf32>
    %swap3A_162 = vector.shape_cast %broadcast_in_dim3A_158 : vector<16xf32> to vector<16xf32>
    tpu.vector_store %arg6[%swap3A_159], %swap3A_162 {strides = array<i32>} : memref<640xf32, #tpu.memory_space<vmem>>, vector<16xf32>,
    %broadcast_in_dim3A_163 = arith.constant 0.000000e+00 : f32
    %broadcast_in_dim3A_164 = vector.broadcast %broadcast_in_dim3A_163 : f32 to vector<16xf32>
    %swap3A_165 = arith.constant 352 : index
    %swap3A_166 = tpu.vector_load %arg6[%swap3A_165] {strides = array<i32>} : memref<640xf32, #tpu.memory_space<vmem>>, vector<16xf32>,
    %swap3A_167 = vector.shape_cast %swap3A_166 : vector<16xf32> to vector<16xf32>
    %swap3A_168 = vector.shape_cast %broadcast_in_dim3A_164 : vector<16xf32> to vector<16xf32>
    tpu.vector_store %arg6[%swap3A_165], %swap3A_168 {strides = array<i32>} : memref<640xf32, #tpu.memory_space<vmem>>, vector<16xf32>,
    %broadcast_in_dim3A_169 = arith.constant 0.000000e+00 : f32
    %broadcast_in_dim3A_170 = vector.broadcast %broadcast_in_dim3A_169 : f32 to vector<16xf32>
    %swap3A_171 = arith.constant 368 : index
    %swap3A_172 = tpu.vector_load %arg6[%swap3A_171] {strides = array<i32>} : memref<640xf32, #tpu.memory_space<vmem>>, vector<16xf32>,
    %swap3A_173 = vector.shape_cast %swap3A_172 : vector<16xf32> to vector<16xf32>
    %swap3A_174 = vector.shape_cast %broadcast_in_dim3A_170 : vector<16xf32> to vector<16xf32>
    tpu.vector_store %arg6[%swap3A_171], %swap3A_174 {strides = array<i32>} : memref<640xf32, #tpu.memory_space<vmem>>, vector<16xf32>,
    %broadcast_in_dim3A_175 = arith.constant 0.000000e+00 : f32
    %broadcast_in_dim3A_176 = vector.broadcast %broadcast_in_dim3A_175 : f32 to vector<16xf32>
    %swap3A_177 = arith.constant 384 : index
    %swap3A_178 = tpu.vector_load %arg6[%swap3A_177] {strides = array<i32>} : memref<640xf32, #tpu.memory_space<vmem>>, vector<16xf32>,
    %swap3A_179 = vector.shape_cast %swap3A_178 : vector<16xf32> to vector<16xf32>
    %swap3A_180 = vector.shape_cast %broadcast_in_dim3A_176 : vector<16xf32> to vector<16xf32>
    tpu.vector_store %arg6[%swap3A_177], %swap3A_180 {strides = array<i32>} : memref<640xf32, #tpu.memory_space<vmem>>, vector<16xf32>,
    %broadcast_in_dim3A_181 = arith.constant 0.000000e+00 : f32
    %broadcast_in_dim3A_182 = vector.broadcast %broadcast_in_dim3A_181 : f32 to vector<16xf32>
    %swap3A_183 = arith.constant 400 : index
    %swap3A_184 = tpu.vector_load %arg6[%swap3A_183] {strides = array<i32>} : memref<640xf32, #tpu.memory_space<vmem>>, vector<16xf32>,
    %swap3A_185 = vector.shape_cast %swap3A_184 : vector<16xf32> to vector<16xf32>
    %swap3A_186 = vector.shape_cast %broadcast_in_dim3A_182 : vector<16xf32> to vector<16xf32>
    tpu.vector_store %arg6[%swap3A_183], %swap3A_186 {strides = array<i32>} : memref<640xf32, #tpu.memory_space<vmem>>, vector<16xf32>,
    %broadcast_in_dim3A_187 = arith.constant 0.000000e+00 : f32
    %broadcast_in_dim3A_188 = vector.broadcast %broadcast_in_dim3A_187 : f32 to vector<16xf32>
    %swap3A_189 = arith.constant 416 : index
    %swap3A_190 = tpu.vector_load %arg6[%swap3A_189] {strides = array<i32>} : memref<640xf32, #tpu.memory_space<vmem>>, vector<16xf32>,
    %swap3A_191 = vector.shape_cast %swap3A_190 : vector<16xf32> to vector<16xf32>
    %swap3A_192 = vector.shape_cast %broadcast_in_dim3A_188 : vector<16xf32> to vector<16xf32>
    tpu.vector_store %arg6[%swap3A_189], %swap3A_192 {strides = array<i32>} : memref<640xf32, #tpu.memory_space<vmem>>, vector<16xf32>,
    %broadcast_in_dim3A_193 = arith.constant 0.000000e+00 : f32
    %broadcast_in_dim3A_194 = vector.broadcast %broadcast_in_dim3A_193 : f32 to vector<16xf32>
    %swap3A_195 = arith.constant 432 : index
    %swap3A_196 = tpu.vector_load %arg6[%swap3A_195] {strides = array<i32>} : memref<640xf32, #tpu.memory_space<vmem>>, vector<16xf32>,
    %swap3A_197 = vector.shape_cast %swap3A_196 : vector<16xf32> to vector<16xf32>
    %swap3A_198 = vector.shape_cast %broadcast_in_dim3A_194 : vector<16xf32> to vector<16xf32>
    tpu.vector_store %arg6[%swap3A_195], %swap3A_198 {strides = array<i32>} : memref<640xf32, #tpu.memory_space<vmem>>, vector<16xf32>,
    %broadcast_in_dim3A_199 = arith.constant 0.000000e+00 : f32
    %broadcast_in_dim3A_200 = vector.broadcast %broadcast_in_dim3A_199 : f32 to vector<16xf32>
    %swap3A_201 = arith.constant 448 : index
    %swap3A_202 = tpu.vector_load %arg6[%swap3A_201] {strides = array<i32>} : memref<640xf32, #tpu.memory_space<vmem>>, vector<16xf32>,
    %swap3A_203 = vector.shape_cast %swap3A_202 : vector<16xf32> to vector<16xf32>
    %swap3A_204 = vector.shape_cast %broadcast_in_dim3A_200 : vector<16xf32> to vector<16xf32>
    tpu.vector_store %arg6[%swap3A_201], %swap3A_204 {strides = array<i32>} : memref<640xf32, #tpu.memory_space<vmem>>, vector<16xf32>,
    %broadcast_in_dim3A_205 = arith.constant 0.000000e+00 : f32
    %broadcast_in_dim3A_206 = vector.broadcast %broadcast_in_dim3A_205 : f32 to vector<16xf32>
    %swap3A_207 = arith.constant 464 : index
    %swap3A_208 = tpu.vector_load %arg6[%swap3A_207] {strides = array<i32>} : memref<640xf32, #tpu.memory_space<vmem>>, vector<16xf32>,
    %swap3A_209 = vector.shape_cast %swap3A_208 : vector<16xf32> to vector<16xf32>
    %swap3A_210 = vector.shape_cast %broadcast_in_dim3A_206 : vector<16xf32> to vector<16xf32>
    tpu.vector_store %arg6[%swap3A_207], %swap3A_210 {strides = array<i32>} : memref<640xf32, #tpu.memory_space<vmem>>, vector<16xf32>,
    %broadcast_in_dim3A_211 = arith.constant 0.000000e+00 : f32
    %broadcast_in_dim3A_212 = vector.broadcast %broadcast_in_dim3A_211 : f32 to vector<16xf32>
    %swap3A_213 = arith.constant 480 : index
    %swap3A_214 = tpu.vector_load %arg6[%swap3A_213] {strides = array<i32>} : memref<640xf32, #tpu.memory_space<vmem>>, vector<16xf32>,
    %swap3A_215 = vector.shape_cast %swap3A_214 : vector<16xf32> to vector<16xf32>
    %swap3A_216 = vector.shape_cast %broadcast_in_dim3A_212 : vector<16xf32> to vector<16xf32>
    tpu.vector_store %arg6[%swap3A_213], %swap3A_216 {strides = array<i32>} : memref<640xf32, #tpu.memory_space<vmem>>, vector<16xf32>,
    %broadcast_in_dim3A_217 = arith.constant 0.000000e+00 : f32
    %broadcast_in_dim3A_218 = vector.broadcast %broadcast_in_dim3A_217 : f32 to vector<16xf32>
    %swap3A_219 = arith.constant 496 : index
    %swap3A_220 = tpu.vector_load %arg6[%swap3A_219] {strides = array<i32>} : memref<640xf32, #tpu.memory_space<vmem>>, vector<16xf32>,
    %swap3A_221 = vector.shape_cast %swap3A_220 : vector<16xf32> to vector<16xf32>
    %swap3A_222 = vector.shape_cast %broadcast_in_dim3A_218 : vector<16xf32> to vector<16xf32>
    tpu.vector_store %arg6[%swap3A_219], %swap3A_222 {strides = array<i32>} : memref<640xf32, #tpu.memory_space<vmem>>, vector<16xf32>,
    %broadcast_in_dim3A_223 = arith.constant 0.000000e+00 : f32
    %broadcast_in_dim3A_224 = vector.broadcast %broadcast_in_dim3A_223 : f32 to vector<16xf32>
    %swap3A_225 = arith.constant 512 : index
    %swap3A_226 = tpu.vector_load %arg6[%swap3A_225] {strides = array<i32>} : memref<640xf32, #tpu.memory_space<vmem>>, vector<16xf32>,
    %swap3A_227 = vector.shape_cast %swap3A_226 : vector<16xf32> to vector<16xf32>
    %swap3A_228 = vector.shape_cast %broadcast_in_dim3A_224 : vector<16xf32> to vector<16xf32>
    tpu.vector_store %arg6[%swap3A_225], %swap3A_228 {strides = array<i32>} : memref<640xf32, #tpu.memory_space<vmem>>, vector<16xf32>,
    %broadcast_in_dim3A_229 = arith.constant 0.000000e+00 : f32
    %broadcast_in_dim3A_230 = vector.broadcast %broadcast_in_dim3A_229 : f32 to vector<16xf32>
    %swap3A_231 = arith.constant 528 : index
    %swap3A_232 = tpu.vector_load %arg6[%swap3A_231] {strides = array<i32>} : memref<640xf32, #tpu.memory_space<vmem>>, vector<16xf32>,
    %swap3A_233 = vector.shape_cast %swap3A_232 : vector<16xf32> to vector<16xf32>
    %swap3A_234 = vector.shape_cast %broadcast_in_dim3A_230 : vector<16xf32> to vector<16xf32>
    tpu.vector_store %arg6[%swap3A_231], %swap3A_234 {strides = array<i32>} : memref<640xf32, #tpu.memory_space<vmem>>, vector<16xf32>,
    %broadcast_in_dim3A_235 = arith.constant 0.000000e+00 : f32
    %broadcast_in_dim3A_236 = vector.broadcast %broadcast_in_dim3A_235 : f32 to vector<16xf32>
    %swap3A_237 = arith.constant 544 : index
    %swap3A_238 = tpu.vector_load %arg6[%swap3A_237] {strides = array<i32>} : memref<640xf32, #tpu.memory_space<vmem>>, vector<16xf32>,
    %swap3A_239 = vector.shape_cast %swap3A_238 : vector<16xf32> to vector<16xf32>
    %swap3A_240 = vector.shape_cast %broadcast_in_dim3A_236 : vector<16xf32> to vector<16xf32>
    tpu.vector_store %arg6[%swap3A_237], %swap3A_240 {strides = array<i32>} : memref<640xf32, #tpu.memory_space<vmem>>, vector<16xf32>,
    %broadcast_in_dim3A_241 = arith.constant 0.000000e+00 : f32
    %broadcast_in_dim3A_242 = vector.broadcast %broadcast_in_dim3A_241 : f32 to vector<16xf32>
    %swap3A_243 = arith.constant 560 : index
    %swap3A_244 = tpu.vector_load %arg6[%swap3A_243] {strides = array<i32>} : memref<640xf32, #tpu.memory_space<vmem>>, vector<16xf32>,
    %swap3A_245 = vector.shape_cast %swap3A_244 : vector<16xf32> to vector<16xf32>
    %swap3A_246 = vector.shape_cast %broadcast_in_dim3A_242 : vector<16xf32> to vector<16xf32>
    tpu.vector_store %arg6[%swap3A_243], %swap3A_246 {strides = array<i32>} : memref<640xf32, #tpu.memory_space<vmem>>, vector<16xf32>,
    %broadcast_in_dim3A_247 = arith.constant 0.000000e+00 : f32
    %broadcast_in_dim3A_248 = vector.broadcast %broadcast_in_dim3A_247 : f32 to vector<16xf32>
    %swap3A_249 = arith.constant 576 : index
    %swap3A_250 = tpu.vector_load %arg6[%swap3A_249] {strides = array<i32>} : memref<640xf32, #tpu.memory_space<vmem>>, vector<16xf32>,
    %swap3A_251 = vector.shape_cast %swap3A_250 : vector<16xf32> to vector<16xf32>
    %swap3A_252 = vector.shape_cast %broadcast_in_dim3A_248 : vector<16xf32> to vector<16xf32>
    tpu.vector_store %arg6[%swap3A_249], %swap3A_252 {strides = array<i32>} : memref<640xf32, #tpu.memory_space<vmem>>, vector<16xf32>,
    %broadcast_in_dim3A_253 = arith.constant 0.000000e+00 : f32
    %broadcast_in_dim3A_254 = vector.broadcast %broadcast_in_dim3A_253 : f32 to vector<16xf32>
    %swap3A_255 = arith.constant 592 : index
    %swap3A_256 = tpu.vector_load %arg6[%swap3A_255] {strides = array<i32>} : memref<640xf32, #tpu.memory_space<vmem>>, vector<16xf32>,
    %swap3A_257 = vector.shape_cast %swap3A_256 : vector<16xf32> to vector<16xf32>
    %swap3A_258 = vector.shape_cast %broadcast_in_dim3A_254 : vector<16xf32> to vector<16xf32>
    tpu.vector_store %arg6[%swap3A_255], %swap3A_258 {strides = array<i32>} : memref<640xf32, #tpu.memory_space<vmem>>, vector<16xf32>,
    %broadcast_in_dim3A_259 = arith.constant 0.000000e+00 : f32
    %broadcast_in_dim3A_260 = vector.broadcast %broadcast_in_dim3A_259 : f32 to vector<16xf32>
    %swap3A_261 = arith.constant 608 : index
    %swap3A_262 = tpu.vector_load %arg6[%swap3A_261] {strides = array<i32>} : memref<640xf32, #tpu.memory_space<vmem>>, vector<16xf32>,
    %swap3A_263 = vector.shape_cast %swap3A_262 : vector<16xf32> to vector<16xf32>
    %swap3A_264 = vector.shape_cast %broadcast_in_dim3A_260 : vector<16xf32> to vector<16xf32>
    tpu.vector_store %arg6[%swap3A_261], %swap3A_264 {strides = array<i32>} : memref<640xf32, #tpu.memory_space<vmem>>, vector<16xf32>,
    %broadcast_in_dim3A_265 = arith.constant 0.000000e+00 : f32
    %broadcast_in_dim3A_266 = vector.broadcast %broadcast_in_dim3A_265 : f32 to vector<16xf32>
    %swap3A_267 = arith.constant 624 : index
    %swap3A_268 = tpu.vector_load %arg6[%swap3A_267] {strides = array<i32>} : memref<640xf32, #tpu.memory_space<vmem>>, vector<16xf32>,
    %swap3A_269 = vector.shape_cast %swap3A_268 : vector<16xf32> to vector<16xf32>
    %swap3A_270 = vector.shape_cast %broadcast_in_dim3A_266 : vector<16xf32> to vector<16xf32>
    tpu.vector_store %arg6[%swap3A_267], %swap3A_270 {strides = array<i32>} : memref<640xf32, #tpu.memory_space<vmem>>, vector<16xf32>,
    %mul3A_271 = arith.constant 640 : i32
    %mul3A_272 = arith.muli %arg1, %mul3A_271 : i32
    "tpu.region"() ({
      %run_scoped3A = tpu.sem_alloc : memref<!tpu.dma_semaphore, #tpu.memory_space<semaphore_mem>>
      %dma_start3A = tpu.memref_slice %arg7[%mul3A_272] : memref<10240xf32, #tpu.memory_space<vmem_shared>> -> memref<640xf32, #tpu.memory_space<vmem_shared>>
      %dma_start3A_283 = tpu.memref_slice %arg7[%mul3A_272] : memref<10240xf32, #tpu.memory_space<vmem_shared>> -> memref<640xf32, #tpu.memory_space<vmem_shared>>
      tpu.enqueue_dma source(%arg6 : memref<640xf32, #tpu.memory_space<vmem>>) target(%dma_start3A_283 : memref<640xf32, #tpu.memory_space<vmem_shared>>) target_semaphore(%run_scoped3A : memref<!tpu.dma_semaphore, #tpu.memory_space<semaphore_mem>>)
      %dma_wait3A = tpu.memref_slice %arg7[%mul3A_272] : memref<10240xf32, #tpu.memory_space<vmem_shared>> -> memref<640xf32, #tpu.memory_space<vmem_shared>>
      %dma_wait3A_284 = tpu.memref_slice %arg7[%mul3A_272] : memref<10240xf32, #tpu.memory_space<vmem_shared>> -> memref<640xf32, #tpu.memory_space<vmem_shared>>
      tpu.wait_dma2 semaphore(%run_scoped3A : memref<!tpu.dma_semaphore, #tpu.memory_space<semaphore_mem>>) src(%arg6 : memref<640xf32, #tpu.memory_space<vmem>>) dst(%dma_wait3A_284 : memref<640xf32, #tpu.memory_space<vmem_shared>>)
      tpu.yield
    }) : () -> ()
    %barrier3A = arith.constant 0 : index
    tpu.barrier barrier_id(%barrier3A)
    %scan3A = arith.constant 0 : i32
    %scan3A_273 = arith.constant 0 : i32
    %scan3A_274 = arith.constant 125 : i32
    %scan3A_275 = arith.addi %scan3A_273, %scan3A_274 : i32
    %scan3A_276 = arith.constant 1 : i32
    scf.for %scan3A_283 = %scan3A_273 to %scan3A_275 step %scan3A_276  : i32 {
      %mul3A_284 = arith.constant 80 : i32
      %mul3A_285 = arith.muli %scan3A_283, %mul3A_284 : i32
      %add3A_286 = arith.addi %mul3A_2, %mul3A_285 : i32
      "tpu.region"() ({
        %run_scoped3A = tpu.sem_alloc : memref<!tpu.dma_semaphore, #tpu.memory_space<semaphore_mem>>
        %dma_start3A = tpu.memref_slice %arg2[%add3A_286] : memref<320000xi32, #tpu.memory_space<hbm>> -> memref<80xi32, #tpu.memory_space<hbm>>
        %dma_start3A_287 = tpu.memref_slice %arg2[%add3A_286] : memref<320000xi32, #tpu.memory_space<hbm>> -> memref<80xi32, #tpu.memory_space<hbm>>
        tpu.enqueue_dma source(%dma_start3A_287 : memref<80xi32, #tpu.memory_space<hbm>>) target(%arg4 : memref<80xi32, #tpu.memory_space<vmem>>) target_semaphore(%run_scoped3A : memref<!tpu.dma_semaphore, #tpu.memory_space<semaphore_mem>>)
        %dma_wait3A = tpu.memref_slice %arg2[%add3A_286] : memref<320000xi32, #tpu.memory_space<hbm>> -> memref<80xi32, #tpu.memory_space<hbm>>
        %dma_wait3A_288 = tpu.memref_slice %arg2[%add3A_286] : memref<320000xi32, #tpu.memory_space<hbm>> -> memref<80xi32, #tpu.memory_space<hbm>>
        tpu.wait_dma2 semaphore(%run_scoped3A : memref<!tpu.dma_semaphore, #tpu.memory_space<semaphore_mem>>) src(%dma_wait3A_288 : memref<80xi32, #tpu.memory_space<hbm>>) dst(%arg4 : memref<80xi32, #tpu.memory_space<vmem>>)
        tpu.yield
      }) : () -> ()
      "tpu.region"() ({
        %run_scoped3A = tpu.sem_alloc : memref<!tpu.dma_semaphore, #tpu.memory_space<semaphore_mem>>
        %dma_start3A = arith.constant 0 : i32
        %dma_start3A_287 = tpu.memref_slice %arg7[%dma_start3A] : memref<10240xf32, #tpu.memory_space<vmem_shared>> -> memref<10240xf32, #tpu.memory_space<vmem_shared>>
        tpu.enqueue_indirect_dma source(%arg5 : memref<80xf32, #tpu.memory_space<vmem>>) target(%dma_start3A_287 : memref<10240xf32, #tpu.memory_space<vmem_shared>>) offsets(%arg4 : memref<80xi32, #tpu.memory_space<vmem>>) semaphore(%run_scoped3A : memref<!tpu.dma_semaphore, #tpu.memory_space<semaphore_mem>>) {add = true}
        %dma_wait3A = arith.constant 0 : i32
        %dma_wait3A_288 = tpu.memref_slice %arg7[%dma_wait3A] : memref<10240xf32, #tpu.memory_space<vmem_shared>> -> memref<10240xf32, #tpu.memory_space<vmem_shared>>
        tpu.wait_indirect_dma semaphore(%run_scoped3A : memref<!tpu.dma_semaphore, #tpu.memory_space<semaphore_mem>>) src(%arg5 : memref<80xf32, #tpu.memory_space<vmem>>) dst(%dma_wait3A_288 : memref<10240xf32, #tpu.memory_space<vmem_shared>>)
        tpu.yield
      }) : () -> ()
    }
    %scan3A_277 = arith.constant 125 : i32
    %barrier3A_278 = arith.constant 0 : index
    tpu.barrier barrier_id(%barrier3A_278)
    %mul3A_279 = arith.constant 640 : i32
    %mul3A_280 = arith.muli %arg1, %mul3A_279 : i32
    %mul3A_281 = arith.constant 640 : i32
    %mul3A_282 = arith.muli %arg1, %mul3A_281 : i32
    "tpu.region"() ({
      %run_scoped3A = tpu.sem_alloc : memref<!tpu.dma_semaphore, #tpu.memory_space<semaphore_mem>>
      %dma_start3A = tpu.memref_slice %arg3[%arg0, %mul3A_282] : memref<2x10240xf32, #tpu.memory_space<hbm>> -> memref<1x640xf32, #tpu.memory_space<hbm>>
      %dma_start3A_283 = tpu.memref_squeeze %dma_start3A : memref<1x640xf32, #tpu.memory_space<hbm>> -> memref<640xf32, #tpu.memory_space<hbm>>
      %dma_start3A_284 = tpu.memref_slice %arg7[%mul3A_280] : memref<10240xf32, #tpu.memory_space<vmem_shared>> -> memref<640xf32, #tpu.memory_space<vmem_shared>>
      tpu.enqueue_dma source(%dma_start3A_284 : memref<640xf32, #tpu.memory_space<vmem_shared>>) target(%dma_start3A_283 : memref<640xf32, #tpu.memory_space<hbm>>) target_semaphore(%run_scoped3A : memref<!tpu.dma_semaphore, #tpu.memory_space<semaphore_mem>>)
      %dma_wait3A = tpu.memref_slice %arg3[%arg0, %mul3A_282] : memref<2x10240xf32, #tpu.memory_space<hbm>> -> memref<1x640xf32, #tpu.memory_space<hbm>>
      %dma_wait3A_285 = tpu.memref_squeeze %dma_wait3A : memref<1x640xf32, #tpu.memory_space<hbm>> -> memref<640xf32, #tpu.memory_space<hbm>>
      %dma_wait3A_286 = tpu.memref_slice %arg7[%mul3A_280] : memref<10240xf32, #tpu.memory_space<vmem_shared>> -> memref<640xf32, #tpu.memory_space<vmem_shared>>
      tpu.wait_dma2 semaphore(%run_scoped3A : memref<!tpu.dma_semaphore, #tpu.memory_space<semaphore_mem>>) src(%dma_wait3A_286 : memref<640xf32, #tpu.memory_space<vmem_shared>>) dst(%dma_wait3A_285 : memref<640xf32, #tpu.memory_space<hbm>>)
      tpu.yield
    }) : () -> ()
    return
  }
}

#map = affine_map<(d0, d1) -> (0, 0)>
#map1 = affine_map<(d0, d1) -> (0)>
#map2 = affine_map<(d0, d1) -> (0, 0, 0)>
module attributes {stable_mosaic.version = 14 : i64} {
  func.func @_sc_agg_body(%arg0: i32, %arg1: i32, %arg2: memref<10000x128xf32, #tpu.memory_space<hbm>>, %arg3: memref<320000xi32, #tpu.memory_space<hbm>>, %arg4: memref<320000xi32, #tpu.memory_space<hbm>>, %arg5: memref<2x10240x128xf32, #tpu.memory_space<hbm>>, %arg6: memref<80xi32, #tpu.memory_space<vmem>>, %arg7: memref<80xi32, #tpu.memory_space<vmem>>, %arg8: memref<80x128xf32, #tpu.memory_space<vmem>>, %arg9: memref<80x128xf32, #tpu.memory_space<vmem>>, %arg10: memref<10240x128xf32, #tpu.memory_space<vmem_shared>>, %arg11: memref<!tpu.dma_semaphore, #tpu.memory_space<semaphore_mem>>) attributes {dimension_semantics = [#tpu.dimension_semantics<core_parallel>, #tpu.dimension_semantics<subcore_parallel>], iteration_bounds = array<i64: 2, 16>, scalar_prefetch = 0 : i64, scratch_operands = 6 : i64, tpu.core_type = #tpu.core_type<sc_vector_subcore>, window_params = [{transform_indices = #map}, {transform_indices = #map1}, {transform_indices = #map1}, {transform_indices = #map2}]} {
    %mul3A = arith.constant 2 : i32
    %mul3A_0 = arith.muli %arg1, %mul3A : i32
    %add3A = arith.addi %mul3A_0, %arg0 : i32
    %mul3A_1 = arith.constant 10000 : i32
    %mul3A_2 = arith.muli %add3A, %mul3A_1 : i32
    %scan3A = arith.constant 0 : i32
    %scan3A_3 = arith.constant 0 : i32
    %scan3A_4 = arith.constant 80 : i32
    %scan3A_5 = arith.addi %scan3A_3, %scan3A_4 : i32
    %scan3A_6 = arith.constant 1 : i32
    scf.for %scan3A_51 = %scan3A_3 to %scan3A_5 step %scan3A_6  : i32 {
      %broadcast_in_dim3A = arith.constant 0.000000e+00 : f32
      %broadcast_in_dim3A_52 = vector.broadcast %broadcast_in_dim3A : f32 to vector<16xf32>
      %swap3A = arith.index_cast %scan3A_51 : i32 to index
      %swap3A_53 = arith.constant 0 : index
      %swap3A_54 = tpu.vector_load %arg9[%swap3A, %swap3A_53] {strides = array<i32>} : memref<80x128xf32, #tpu.memory_space<vmem>>, vector<1x16xf32>,
      %swap3A_55 = vector.shape_cast %swap3A_54 : vector<1x16xf32> to vector<16xf32>
      %swap3A_56 = vector.shape_cast %broadcast_in_dim3A_52 : vector<16xf32> to vector<1x16xf32>
      tpu.vector_store %arg9[%swap3A, %swap3A_53], %swap3A_56 {strides = array<i32>} : memref<80x128xf32, #tpu.memory_space<vmem>>, vector<1x16xf32>,
      %broadcast_in_dim3A_57 = arith.constant 0.000000e+00 : f32
      %broadcast_in_dim3A_58 = vector.broadcast %broadcast_in_dim3A_57 : f32 to vector<16xf32>
      %swap3A_59 = arith.index_cast %scan3A_51 : i32 to index
      %swap3A_60 = arith.constant 16 : index
      %swap3A_61 = tpu.vector_load %arg9[%swap3A_59, %swap3A_60] {strides = array<i32>} : memref<80x128xf32, #tpu.memory_space<vmem>>, vector<1x16xf32>,
      %swap3A_62 = vector.shape_cast %swap3A_61 : vector<1x16xf32> to vector<16xf32>
      %swap3A_63 = vector.shape_cast %broadcast_in_dim3A_58 : vector<16xf32> to vector<1x16xf32>
      tpu.vector_store %arg9[%swap3A_59, %swap3A_60], %swap3A_63 {strides = array<i32>} : memref<80x128xf32, #tpu.memory_space<vmem>>, vector<1x16xf32>,
      %broadcast_in_dim3A_64 = arith.constant 0.000000e+00 : f32
      %broadcast_in_dim3A_65 = vector.broadcast %broadcast_in_dim3A_64 : f32 to vector<16xf32>
      %swap3A_66 = arith.index_cast %scan3A_51 : i32 to index
      %swap3A_67 = arith.constant 32 : index
      %swap3A_68 = tpu.vector_load %arg9[%swap3A_66, %swap3A_67] {strides = array<i32>} : memref<80x128xf32, #tpu.memory_space<vmem>>, vector<1x16xf32>,
      %swap3A_69 = vector.shape_cast %swap3A_68 : vector<1x16xf32> to vector<16xf32>
      %swap3A_70 = vector.shape_cast %broadcast_in_dim3A_65 : vector<16xf32> to vector<1x16xf32>
      tpu.vector_store %arg9[%swap3A_66, %swap3A_67], %swap3A_70 {strides = array<i32>} : memref<80x128xf32, #tpu.memory_space<vmem>>, vector<1x16xf32>,
      %broadcast_in_dim3A_71 = arith.constant 0.000000e+00 : f32
      %broadcast_in_dim3A_72 = vector.broadcast %broadcast_in_dim3A_71 : f32 to vector<16xf32>
      %swap3A_73 = arith.index_cast %scan3A_51 : i32 to index
      %swap3A_74 = arith.constant 48 : index
      %swap3A_75 = tpu.vector_load %arg9[%swap3A_73, %swap3A_74] {strides = array<i32>} : memref<80x128xf32, #tpu.memory_space<vmem>>, vector<1x16xf32>,
      %swap3A_76 = vector.shape_cast %swap3A_75 : vector<1x16xf32> to vector<16xf32>
      %swap3A_77 = vector.shape_cast %broadcast_in_dim3A_72 : vector<16xf32> to vector<1x16xf32>
      tpu.vector_store %arg9[%swap3A_73, %swap3A_74], %swap3A_77 {strides = array<i32>} : memref<80x128xf32, #tpu.memory_space<vmem>>, vector<1x16xf32>,
      %broadcast_in_dim3A_78 = arith.constant 0.000000e+00 : f32
      %broadcast_in_dim3A_79 = vector.broadcast %broadcast_in_dim3A_78 : f32 to vector<16xf32>
      %swap3A_80 = arith.index_cast %scan3A_51 : i32 to index
      %swap3A_81 = arith.constant 64 : index
      %swap3A_82 = tpu.vector_load %arg9[%swap3A_80, %swap3A_81] {strides = array<i32>} : memref<80x128xf32, #tpu.memory_space<vmem>>, vector<1x16xf32>,
      %swap3A_83 = vector.shape_cast %swap3A_82 : vector<1x16xf32> to vector<16xf32>
      %swap3A_84 = vector.shape_cast %broadcast_in_dim3A_79 : vector<16xf32> to vector<1x16xf32>
      tpu.vector_store %arg9[%swap3A_80, %swap3A_81], %swap3A_84 {strides = array<i32>} : memref<80x128xf32, #tpu.memory_space<vmem>>, vector<1x16xf32>,
      %broadcast_in_dim3A_85 = arith.constant 0.000000e+00 : f32
      %broadcast_in_dim3A_86 = vector.broadcast %broadcast_in_dim3A_85 : f32 to vector<16xf32>
      %swap3A_87 = arith.index_cast %scan3A_51 : i32 to index
      %swap3A_88 = arith.constant 80 : index
      %swap3A_89 = tpu.vector_load %arg9[%swap3A_87, %swap3A_88] {strides = array<i32>} : memref<80x128xf32, #tpu.memory_space<vmem>>, vector<1x16xf32>,
      %swap3A_90 = vector.shape_cast %swap3A_89 : vector<1x16xf32> to vector<16xf32>
      %swap3A_91 = vector.shape_cast %broadcast_in_dim3A_86 : vector<16xf32> to vector<1x16xf32>
      tpu.vector_store %arg9[%swap3A_87, %swap3A_88], %swap3A_91 {strides = array<i32>} : memref<80x128xf32, #tpu.memory_space<vmem>>, vector<1x16xf32>,
      %broadcast_in_dim3A_92 = arith.constant 0.000000e+00 : f32
      %broadcast_in_dim3A_93 = vector.broadcast %broadcast_in_dim3A_92 : f32 to vector<16xf32>
      %swap3A_94 = arith.index_cast %scan3A_51 : i32 to index
      %swap3A_95 = arith.constant 96 : index
      %swap3A_96 = tpu.vector_load %arg9[%swap3A_94, %swap3A_95] {strides = array<i32>} : memref<80x128xf32, #tpu.memory_space<vmem>>, vector<1x16xf32>,
      %swap3A_97 = vector.shape_cast %swap3A_96 : vector<1x16xf32> to vector<16xf32>
      %swap3A_98 = vector.shape_cast %broadcast_in_dim3A_93 : vector<16xf32> to vector<1x16xf32>
      tpu.vector_store %arg9[%swap3A_94, %swap3A_95], %swap3A_98 {strides = array<i32>} : memref<80x128xf32, #tpu.memory_space<vmem>>, vector<1x16xf32>,
      %broadcast_in_dim3A_99 = arith.constant 0.000000e+00 : f32
      %broadcast_in_dim3A_100 = vector.broadcast %broadcast_in_dim3A_99 : f32 to vector<16xf32>
      %swap3A_101 = arith.index_cast %scan3A_51 : i32 to index
      %swap3A_102 = arith.constant 112 : index
      %swap3A_103 = tpu.vector_load %arg9[%swap3A_101, %swap3A_102] {strides = array<i32>} : memref<80x128xf32, #tpu.memory_space<vmem>>, vector<1x16xf32>,
      %swap3A_104 = vector.shape_cast %swap3A_103 : vector<1x16xf32> to vector<16xf32>
      %swap3A_105 = vector.shape_cast %broadcast_in_dim3A_100 : vector<16xf32> to vector<1x16xf32>
      tpu.vector_store %arg9[%swap3A_101, %swap3A_102], %swap3A_105 {strides = array<i32>} : memref<80x128xf32, #tpu.memory_space<vmem>>, vector<1x16xf32>,
    }
    %scan3A_7 = arith.constant 80 : i32
    %mul3A_8 = arith.constant 640 : i32
    %mul3A_9 = arith.muli %arg1, %mul3A_8 : i32
    %add3A_10 = arith.constant 0 : i32
    %add3A_11 = arith.addi %mul3A_9, %add3A_10 : i32
    "tpu.region"() ({
      %run_scoped3A = tpu.sem_alloc : memref<!tpu.dma_semaphore, #tpu.memory_space<semaphore_mem>>
      %dma_start3A = arith.constant 0 : i32
      %dma_start3A_51 = tpu.memref_slice %arg10[%add3A_11, %dma_start3A] : memref<10240x128xf32, #tpu.memory_space<vmem_shared>> -> memref<80x128xf32, #tpu.memory_space<vmem_shared>>
      %dma_start3A_52 = arith.constant 0 : i32
      %dma_start3A_53 = tpu.memref_slice %arg10[%add3A_11, %dma_start3A_52] : memref<10240x128xf32, #tpu.memory_space<vmem_shared>> -> memref<80x128xf32, #tpu.memory_space<vmem_shared>>
      tpu.enqueue_dma source(%arg9 : memref<80x128xf32, #tpu.memory_space<vmem>>) target(%dma_start3A_53 : memref<80x128xf32, #tpu.memory_space<vmem_shared>>) target_semaphore(%run_scoped3A : memref<!tpu.dma_semaphore, #tpu.memory_space<semaphore_mem>>)
      %dma_wait3A = arith.constant 0 : i32
      %dma_wait3A_54 = tpu.memref_slice %arg10[%add3A_11, %dma_wait3A] : memref<10240x128xf32, #tpu.memory_space<vmem_shared>> -> memref<80x128xf32, #tpu.memory_space<vmem_shared>>
      %dma_wait3A_55 = arith.constant 0 : i32
      %dma_wait3A_56 = tpu.memref_slice %arg10[%add3A_11, %dma_wait3A_55] : memref<10240x128xf32, #tpu.memory_space<vmem_shared>> -> memref<80x128xf32, #tpu.memory_space<vmem_shared>>
      tpu.wait_dma2 semaphore(%run_scoped3A : memref<!tpu.dma_semaphore, #tpu.memory_space<semaphore_mem>>) src(%arg9 : memref<80x128xf32, #tpu.memory_space<vmem>>) dst(%dma_wait3A_56 : memref<80x128xf32, #tpu.memory_space<vmem_shared>>)
      tpu.yield
    }) : () -> ()
    %mul3A_12 = arith.constant 640 : i32
    %mul3A_13 = arith.muli %arg1, %mul3A_12 : i32
    %add3A_14 = arith.constant 80 : i32
    %add3A_15 = arith.addi %mul3A_13, %add3A_14 : i32
    "tpu.region"() ({
      %run_scoped3A = tpu.sem_alloc : memref<!tpu.dma_semaphore, #tpu.memory_space<semaphore_mem>>
      %dma_start3A = arith.constant 0 : i32
      %dma_start3A_51 = tpu.memref_slice %arg10[%add3A_15, %dma_start3A] : memref<10240x128xf32, #tpu.memory_space<vmem_shared>> -> memref<80x128xf32, #tpu.memory_space<vmem_shared>>
      %dma_start3A_52 = arith.constant 0 : i32
      %dma_start3A_53 = tpu.memref_slice %arg10[%add3A_15, %dma_start3A_52] : memref<10240x128xf32, #tpu.memory_space<vmem_shared>> -> memref<80x128xf32, #tpu.memory_space<vmem_shared>>
      tpu.enqueue_dma source(%arg9 : memref<80x128xf32, #tpu.memory_space<vmem>>) target(%dma_start3A_53 : memref<80x128xf32, #tpu.memory_space<vmem_shared>>) target_semaphore(%run_scoped3A : memref<!tpu.dma_semaphore, #tpu.memory_space<semaphore_mem>>)
      %dma_wait3A = arith.constant 0 : i32
      %dma_wait3A_54 = tpu.memref_slice %arg10[%add3A_15, %dma_wait3A] : memref<10240x128xf32, #tpu.memory_space<vmem_shared>> -> memref<80x128xf32, #tpu.memory_space<vmem_shared>>
      %dma_wait3A_55 = arith.constant 0 : i32
      %dma_wait3A_56 = tpu.memref_slice %arg10[%add3A_15, %dma_wait3A_55] : memref<10240x128xf32, #tpu.memory_space<vmem_shared>> -> memref<80x128xf32, #tpu.memory_space<vmem_shared>>
      tpu.wait_dma2 semaphore(%run_scoped3A : memref<!tpu.dma_semaphore, #tpu.memory_space<semaphore_mem>>) src(%arg9 : memref<80x128xf32, #tpu.memory_space<vmem>>) dst(%dma_wait3A_56 : memref<80x128xf32, #tpu.memory_space<vmem_shared>>)
      tpu.yield
    }) : () -> ()
    %mul3A_16 = arith.constant 640 : i32
    %mul3A_17 = arith.muli %arg1, %mul3A_16 : i32
    %add3A_18 = arith.constant 160 : i32
    %add3A_19 = arith.addi %mul3A_17, %add3A_18 : i32
    "tpu.region"() ({
      %run_scoped3A = tpu.sem_alloc : memref<!tpu.dma_semaphore, #tpu.memory_space<semaphore_mem>>
      %dma_start3A = arith.constant 0 : i32
      %dma_start3A_51 = tpu.memref_slice %arg10[%add3A_19, %dma_start3A] : memref<10240x128xf32, #tpu.memory_space<vmem_shared>> -> memref<80x128xf32, #tpu.memory_space<vmem_shared>>
      %dma_start3A_52 = arith.constant 0 : i32
      %dma_start3A_53 = tpu.memref_slice %arg10[%add3A_19, %dma_start3A_52] : memref<10240x128xf32, #tpu.memory_space<vmem_shared>> -> memref<80x128xf32, #tpu.memory_space<vmem_shared>>
      tpu.enqueue_dma source(%arg9 : memref<80x128xf32, #tpu.memory_space<vmem>>) target(%dma_start3A_53 : memref<80x128xf32, #tpu.memory_space<vmem_shared>>) target_semaphore(%run_scoped3A : memref<!tpu.dma_semaphore, #tpu.memory_space<semaphore_mem>>)
      %dma_wait3A = arith.constant 0 : i32
      %dma_wait3A_54 = tpu.memref_slice %arg10[%add3A_19, %dma_wait3A] : memref<10240x128xf32, #tpu.memory_space<vmem_shared>> -> memref<80x128xf32, #tpu.memory_space<vmem_shared>>
      %dma_wait3A_55 = arith.constant 0 : i32
      %dma_wait3A_56 = tpu.memref_slice %arg10[%add3A_19, %dma_wait3A_55] : memref<10240x128xf32, #tpu.memory_space<vmem_shared>> -> memref<80x128xf32, #tpu.memory_space<vmem_shared>>
      tpu.wait_dma2 semaphore(%run_scoped3A : memref<!tpu.dma_semaphore, #tpu.memory_space<semaphore_mem>>) src(%arg9 : memref<80x128xf32, #tpu.memory_space<vmem>>) dst(%dma_wait3A_56 : memref<80x128xf32, #tpu.memory_space<vmem_shared>>)
      tpu.yield
    }) : () -> ()
    %mul3A_20 = arith.constant 640 : i32
    %mul3A_21 = arith.muli %arg1, %mul3A_20 : i32
    %add3A_22 = arith.constant 240 : i32
    %add3A_23 = arith.addi %mul3A_21, %add3A_22 : i32
    "tpu.region"() ({
      %run_scoped3A = tpu.sem_alloc : memref<!tpu.dma_semaphore, #tpu.memory_space<semaphore_mem>>
      %dma_start3A = arith.constant 0 : i32
      %dma_start3A_51 = tpu.memref_slice %arg10[%add3A_23, %dma_start3A] : memref<10240x128xf32, #tpu.memory_space<vmem_shared>> -> memref<80x128xf32, #tpu.memory_space<vmem_shared>>
      %dma_start3A_52 = arith.constant 0 : i32
      %dma_start3A_53 = tpu.memref_slice %arg10[%add3A_23, %dma_start3A_52] : memref<10240x128xf32, #tpu.memory_space<vmem_shared>> -> memref<80x128xf32, #tpu.memory_space<vmem_shared>>
      tpu.enqueue_dma source(%arg9 : memref<80x128xf32, #tpu.memory_space<vmem>>) target(%dma_start3A_53 : memref<80x128xf32, #tpu.memory_space<vmem_shared>>) target_semaphore(%run_scoped3A : memref<!tpu.dma_semaphore, #tpu.memory_space<semaphore_mem>>)
      %dma_wait3A = arith.constant 0 : i32
      %dma_wait3A_54 = tpu.memref_slice %arg10[%add3A_23, %dma_wait3A] : memref<10240x128xf32, #tpu.memory_space<vmem_shared>> -> memref<80x128xf32, #tpu.memory_space<vmem_shared>>
      %dma_wait3A_55 = arith.constant 0 : i32
      %dma_wait3A_56 = tpu.memref_slice %arg10[%add3A_23, %dma_wait3A_55] : memref<10240x128xf32, #tpu.memory_space<vmem_shared>> -> memref<80x128xf32, #tpu.memory_space<vmem_shared>>
      tpu.wait_dma2 semaphore(%run_scoped3A : memref<!tpu.dma_semaphore, #tpu.memory_space<semaphore_mem>>) src(%arg9 : memref<80x128xf32, #tpu.memory_space<vmem>>) dst(%dma_wait3A_56 : memref<80x128xf32, #tpu.memory_space<vmem_shared>>)
      tpu.yield
    }) : () -> ()
    %mul3A_24 = arith.constant 640 : i32
    %mul3A_25 = arith.muli %arg1, %mul3A_24 : i32
    %add3A_26 = arith.constant 320 : i32
    %add3A_27 = arith.addi %mul3A_25, %add3A_26 : i32
    "tpu.region"() ({
      %run_scoped3A = tpu.sem_alloc : memref<!tpu.dma_semaphore, #tpu.memory_space<semaphore_mem>>
      %dma_start3A = arith.constant 0 : i32
      %dma_start3A_51 = tpu.memref_slice %arg10[%add3A_27, %dma_start3A] : memref<10240x128xf32, #tpu.memory_space<vmem_shared>> -> memref<80x128xf32, #tpu.memory_space<vmem_shared>>
      %dma_start3A_52 = arith.constant 0 : i32
      %dma_start3A_53 = tpu.memref_slice %arg10[%add3A_27, %dma_start3A_52] : memref<10240x128xf32, #tpu.memory_space<vmem_shared>> -> memref<80x128xf32, #tpu.memory_space<vmem_shared>>
      tpu.enqueue_dma source(%arg9 : memref<80x128xf32, #tpu.memory_space<vmem>>) target(%dma_start3A_53 : memref<80x128xf32, #tpu.memory_space<vmem_shared>>) target_semaphore(%run_scoped3A : memref<!tpu.dma_semaphore, #tpu.memory_space<semaphore_mem>>)
      %dma_wait3A = arith.constant 0 : i32
      %dma_wait3A_54 = tpu.memref_slice %arg10[%add3A_27, %dma_wait3A] : memref<10240x128xf32, #tpu.memory_space<vmem_shared>> -> memref<80x128xf32, #tpu.memory_space<vmem_shared>>
      %dma_wait3A_55 = arith.constant 0 : i32
      %dma_wait3A_56 = tpu.memref_slice %arg10[%add3A_27, %dma_wait3A_55] : memref<10240x128xf32, #tpu.memory_space<vmem_shared>> -> memref<80x128xf32, #tpu.memory_space<vmem_shared>>
      tpu.wait_dma2 semaphore(%run_scoped3A : memref<!tpu.dma_semaphore, #tpu.memory_space<semaphore_mem>>) src(%arg9 : memref<80x128xf32, #tpu.memory_space<vmem>>) dst(%dma_wait3A_56 : memref<80x128xf32, #tpu.memory_space<vmem_shared>>)
      tpu.yield
    }) : () -> ()
    %mul3A_28 = arith.constant 640 : i32
    %mul3A_29 = arith.muli %arg1, %mul3A_28 : i32
    %add3A_30 = arith.constant 400 : i32
    %add3A_31 = arith.addi %mul3A_29, %add3A_30 : i32
    "tpu.region"() ({
      %run_scoped3A = tpu.sem_alloc : memref<!tpu.dma_semaphore, #tpu.memory_space<semaphore_mem>>
      %dma_start3A = arith.constant 0 : i32
      %dma_start3A_51 = tpu.memref_slice %arg10[%add3A_31, %dma_start3A] : memref<10240x128xf32, #tpu.memory_space<vmem_shared>> -> memref<80x128xf32, #tpu.memory_space<vmem_shared>>
      %dma_start3A_52 = arith.constant 0 : i32
      %dma_start3A_53 = tpu.memref_slice %arg10[%add3A_31, %dma_start3A_52] : memref<10240x128xf32, #tpu.memory_space<vmem_shared>> -> memref<80x128xf32, #tpu.memory_space<vmem_shared>>
      tpu.enqueue_dma source(%arg9 : memref<80x128xf32, #tpu.memory_space<vmem>>) target(%dma_start3A_53 : memref<80x128xf32, #tpu.memory_space<vmem_shared>>) target_semaphore(%run_scoped3A : memref<!tpu.dma_semaphore, #tpu.memory_space<semaphore_mem>>)
      %dma_wait3A = arith.constant 0 : i32
      %dma_wait3A_54 = tpu.memref_slice %arg10[%add3A_31, %dma_wait3A] : memref<10240x128xf32, #tpu.memory_space<vmem_shared>> -> memref<80x128xf32, #tpu.memory_space<vmem_shared>>
      %dma_wait3A_55 = arith.constant 0 : i32
      %dma_wait3A_56 = tpu.memref_slice %arg10[%add3A_31, %dma_wait3A_55] : memref<10240x128xf32, #tpu.memory_space<vmem_shared>> -> memref<80x128xf32, #tpu.memory_space<vmem_shared>>
      tpu.wait_dma2 semaphore(%run_scoped3A : memref<!tpu.dma_semaphore, #tpu.memory_space<semaphore_mem>>) src(%arg9 : memref<80x128xf32, #tpu.memory_space<vmem>>) dst(%dma_wait3A_56 : memref<80x128xf32, #tpu.memory_space<vmem_shared>>)
      tpu.yield
    }) : () -> ()
    %mul3A_32 = arith.constant 640 : i32
    %mul3A_33 = arith.muli %arg1, %mul3A_32 : i32
    %add3A_34 = arith.constant 480 : i32
    %add3A_35 = arith.addi %mul3A_33, %add3A_34 : i32
    "tpu.region"() ({
      %run_scoped3A = tpu.sem_alloc : memref<!tpu.dma_semaphore, #tpu.memory_space<semaphore_mem>>
      %dma_start3A = arith.constant 0 : i32
      %dma_start3A_51 = tpu.memref_slice %arg10[%add3A_35, %dma_start3A] : memref<10240x128xf32, #tpu.memory_space<vmem_shared>> -> memref<80x128xf32, #tpu.memory_space<vmem_shared>>
      %dma_start3A_52 = arith.constant 0 : i32
      %dma_start3A_53 = tpu.memref_slice %arg10[%add3A_35, %dma_start3A_52] : memref<10240x128xf32, #tpu.memory_space<vmem_shared>> -> memref<80x128xf32, #tpu.memory_space<vmem_shared>>
      tpu.enqueue_dma source(%arg9 : memref<80x128xf32, #tpu.memory_space<vmem>>) target(%dma_start3A_53 : memref<80x128xf32, #tpu.memory_space<vmem_shared>>) target_semaphore(%run_scoped3A : memref<!tpu.dma_semaphore, #tpu.memory_space<semaphore_mem>>)
      %dma_wait3A = arith.constant 0 : i32
      %dma_wait3A_54 = tpu.memref_slice %arg10[%add3A_35, %dma_wait3A] : memref<10240x128xf32, #tpu.memory_space<vmem_shared>> -> memref<80x128xf32, #tpu.memory_space<vmem_shared>>
      %dma_wait3A_55 = arith.constant 0 : i32
      %dma_wait3A_56 = tpu.memref_slice %arg10[%add3A_35, %dma_wait3A_55] : memref<10240x128xf32, #tpu.memory_space<vmem_shared>> -> memref<80x128xf32, #tpu.memory_space<vmem_shared>>
      tpu.wait_dma2 semaphore(%run_scoped3A : memref<!tpu.dma_semaphore, #tpu.memory_space<semaphore_mem>>) src(%arg9 : memref<80x128xf32, #tpu.memory_space<vmem>>) dst(%dma_wait3A_56 : memref<80x128xf32, #tpu.memory_space<vmem_shared>>)
      tpu.yield
    }) : () -> ()
    %mul3A_36 = arith.constant 640 : i32
    %mul3A_37 = arith.muli %arg1, %mul3A_36 : i32
    %add3A_38 = arith.constant 560 : i32
    %add3A_39 = arith.addi %mul3A_37, %add3A_38 : i32
    "tpu.region"() ({
      %run_scoped3A = tpu.sem_alloc : memref<!tpu.dma_semaphore, #tpu.memory_space<semaphore_mem>>
      %dma_start3A = arith.constant 0 : i32
      %dma_start3A_51 = tpu.memref_slice %arg10[%add3A_39, %dma_start3A] : memref<10240x128xf32, #tpu.memory_space<vmem_shared>> -> memref<80x128xf32, #tpu.memory_space<vmem_shared>>
      %dma_start3A_52 = arith.constant 0 : i32
      %dma_start3A_53 = tpu.memref_slice %arg10[%add3A_39, %dma_start3A_52] : memref<10240x128xf32, #tpu.memory_space<vmem_shared>> -> memref<80x128xf32, #tpu.memory_space<vmem_shared>>
      tpu.enqueue_dma source(%arg9 : memref<80x128xf32, #tpu.memory_space<vmem>>) target(%dma_start3A_53 : memref<80x128xf32, #tpu.memory_space<vmem_shared>>) target_semaphore(%run_scoped3A : memref<!tpu.dma_semaphore, #tpu.memory_space<semaphore_mem>>)
      %dma_wait3A = arith.constant 0 : i32
      %dma_wait3A_54 = tpu.memref_slice %arg10[%add3A_39, %dma_wait3A] : memref<10240x128xf32, #tpu.memory_space<vmem_shared>> -> memref<80x128xf32, #tpu.memory_space<vmem_shared>>
      %dma_wait3A_55 = arith.constant 0 : i32
      %dma_wait3A_56 = tpu.memref_slice %arg10[%add3A_39, %dma_wait3A_55] : memref<10240x128xf32, #tpu.memory_space<vmem_shared>> -> memref<80x128xf32, #tpu.memory_space<vmem_shared>>
      tpu.wait_dma2 semaphore(%run_scoped3A : memref<!tpu.dma_semaphore, #tpu.memory_space<semaphore_mem>>) src(%arg9 : memref<80x128xf32, #tpu.memory_space<vmem>>) dst(%dma_wait3A_56 : memref<80x128xf32, #tpu.memory_space<vmem_shared>>)
      tpu.yield
    }) : () -> ()
    %barrier3A = arith.constant 0 : index
    tpu.barrier barrier_id(%barrier3A)
    %scan3A_40 = arith.constant 0 : i32
    %scan3A_41 = arith.constant 0 : i32
    %scan3A_42 = arith.constant 125 : i32
    %scan3A_43 = arith.addi %scan3A_41, %scan3A_42 : i32
    %scan3A_44 = arith.constant 1 : i32
    scf.for %scan3A_51 = %scan3A_41 to %scan3A_43 step %scan3A_44  : i32 {
      %mul3A_52 = arith.constant 80 : i32
      %mul3A_53 = arith.muli %scan3A_51, %mul3A_52 : i32
      %add3A_54 = arith.addi %mul3A_2, %mul3A_53 : i32
      "tpu.region"() ({
        %run_scoped3A = tpu.sem_alloc : memref<!tpu.dma_semaphore, #tpu.memory_space<semaphore_mem>>
        %dma_start3A_59 = tpu.memref_slice %arg3[%add3A_54] : memref<320000xi32, #tpu.memory_space<hbm>> -> memref<80xi32, #tpu.memory_space<hbm>>
        %dma_start3A_60 = tpu.memref_slice %arg3[%add3A_54] : memref<320000xi32, #tpu.memory_space<hbm>> -> memref<80xi32, #tpu.memory_space<hbm>>
        tpu.enqueue_dma source(%dma_start3A_60 : memref<80xi32, #tpu.memory_space<hbm>>) target(%arg6 : memref<80xi32, #tpu.memory_space<vmem>>) target_semaphore(%run_scoped3A : memref<!tpu.dma_semaphore, #tpu.memory_space<semaphore_mem>>)
        %dma_wait3A_61 = tpu.memref_slice %arg3[%add3A_54] : memref<320000xi32, #tpu.memory_space<hbm>> -> memref<80xi32, #tpu.memory_space<hbm>>
        %dma_wait3A_62 = tpu.memref_slice %arg3[%add3A_54] : memref<320000xi32, #tpu.memory_space<hbm>> -> memref<80xi32, #tpu.memory_space<hbm>>
        tpu.wait_dma2 semaphore(%run_scoped3A : memref<!tpu.dma_semaphore, #tpu.memory_space<semaphore_mem>>) src(%dma_wait3A_62 : memref<80xi32, #tpu.memory_space<hbm>>) dst(%arg6 : memref<80xi32, #tpu.memory_space<vmem>>)
        tpu.yield
      }) : () -> ()
      "tpu.region"() ({
        %run_scoped3A = tpu.sem_alloc : memref<!tpu.dma_semaphore, #tpu.memory_space<semaphore_mem>>
        %dma_start3A_59 = tpu.memref_slice %arg4[%add3A_54] : memref<320000xi32, #tpu.memory_space<hbm>> -> memref<80xi32, #tpu.memory_space<hbm>>
        %dma_start3A_60 = tpu.memref_slice %arg4[%add3A_54] : memref<320000xi32, #tpu.memory_space<hbm>> -> memref<80xi32, #tpu.memory_space<hbm>>
        tpu.enqueue_dma source(%dma_start3A_60 : memref<80xi32, #tpu.memory_space<hbm>>) target(%arg7 : memref<80xi32, #tpu.memory_space<vmem>>) target_semaphore(%run_scoped3A : memref<!tpu.dma_semaphore, #tpu.memory_space<semaphore_mem>>)
        %dma_wait3A_61 = tpu.memref_slice %arg4[%add3A_54] : memref<320000xi32, #tpu.memory_space<hbm>> -> memref<80xi32, #tpu.memory_space<hbm>>
        %dma_wait3A_62 = tpu.memref_slice %arg4[%add3A_54] : memref<320000xi32, #tpu.memory_space<hbm>> -> memref<80xi32, #tpu.memory_space<hbm>>
        tpu.wait_dma2 semaphore(%run_scoped3A : memref<!tpu.dma_semaphore, #tpu.memory_space<semaphore_mem>>) src(%dma_wait3A_62 : memref<80xi32, #tpu.memory_space<hbm>>) dst(%arg7 : memref<80xi32, #tpu.memory_space<vmem>>)
        tpu.yield
      }) : () -> ()
      %dma_start3A = arith.constant 0 : i32
      %dma_start3A_55 = arith.constant 0 : i32
      %dma_start3A_56 = tpu.memref_slice %arg2[%dma_start3A, %dma_start3A_55] : memref<10000x128xf32, #tpu.memory_space<hbm>> -> memref<10000x128xf32, #tpu.memory_space<hbm>>
      tpu.enqueue_indirect_dma source(%dma_start3A_56 : memref<10000x128xf32, #tpu.memory_space<hbm>>) target(%arg8 : memref<80x128xf32, #tpu.memory_space<vmem>>) offsets(%arg6 : memref<80xi32, #tpu.memory_space<vmem>>) semaphore(%arg11 : memref<!tpu.dma_semaphore, #tpu.memory_space<semaphore_mem>>)
      %dma_wait3A = arith.constant 0 : i32
      %dma_wait3A_57 = arith.constant 0 : i32
      %dma_wait3A_58 = tpu.memref_slice %arg2[%dma_wait3A, %dma_wait3A_57] : memref<10000x128xf32, #tpu.memory_space<hbm>> -> memref<10000x128xf32, #tpu.memory_space<hbm>>
      tpu.wait_indirect_dma semaphore(%arg11 : memref<!tpu.dma_semaphore, #tpu.memory_space<semaphore_mem>>) src(%dma_wait3A_58 : memref<10000x128xf32, #tpu.memory_space<hbm>>) dst(%arg8 : memref<80x128xf32, #tpu.memory_space<vmem>>)
      "tpu.region"() ({
        %run_scoped3A = tpu.sem_alloc : memref<!tpu.dma_semaphore, #tpu.memory_space<semaphore_mem>>
        %dma_start3A_59 = arith.constant 0 : i32
        %dma_start3A_60 = arith.constant 0 : i32
        %dma_start3A_61 = tpu.memref_slice %arg10[%dma_start3A_59, %dma_start3A_60] : memref<10240x128xf32, #tpu.memory_space<vmem_shared>> -> memref<10240x128xf32, #tpu.memory_space<vmem_shared>>
        tpu.enqueue_indirect_dma source(%arg8 : memref<80x128xf32, #tpu.memory_space<vmem>>) target(%dma_start3A_61 : memref<10240x128xf32, #tpu.memory_space<vmem_shared>>) offsets(%arg7 : memref<80xi32, #tpu.memory_space<vmem>>) semaphore(%run_scoped3A : memref<!tpu.dma_semaphore, #tpu.memory_space<semaphore_mem>>) {add = true}
        %dma_wait3A_62 = arith.constant 0 : i32
        %dma_wait3A_63 = arith.constant 0 : i32
        %dma_wait3A_64 = tpu.memref_slice %arg10[%dma_wait3A_62, %dma_wait3A_63] : memref<10240x128xf32, #tpu.memory_space<vmem_shared>> -> memref<10240x128xf32, #tpu.memory_space<vmem_shared>>
        tpu.wait_indirect_dma semaphore(%run_scoped3A : memref<!tpu.dma_semaphore, #tpu.memory_space<semaphore_mem>>) src(%arg8 : memref<80x128xf32, #tpu.memory_space<vmem>>) dst(%dma_wait3A_64 : memref<10240x128xf32, #tpu.memory_space<vmem_shared>>)
        tpu.yield
      }) : () -> ()
    }
    %scan3A_45 = arith.constant 125 : i32
    %barrier3A_46 = arith.constant 0 : index
    tpu.barrier barrier_id(%barrier3A_46)
    %mul3A_47 = arith.constant 640 : i32
    %mul3A_48 = arith.muli %arg1, %mul3A_47 : i32
    %mul3A_49 = arith.constant 640 : i32
    %mul3A_50 = arith.muli %arg1, %mul3A_49 : i32
    "tpu.region"() ({
      %run_scoped3A = tpu.sem_alloc : memref<!tpu.dma_semaphore, #tpu.memory_space<semaphore_mem>>
      %dma_start3A = arith.constant 0 : i32
      %dma_start3A_51 = tpu.memref_slice %arg5[%arg0, %mul3A_50, %dma_start3A] : memref<2x10240x128xf32, #tpu.memory_space<hbm>> -> memref<1x640x128xf32, #tpu.memory_space<hbm>>
      %dma_start3A_52 = tpu.memref_squeeze %dma_start3A_51 : memref<1x640x128xf32, #tpu.memory_space<hbm>> -> memref<640x128xf32, #tpu.memory_space<hbm>>
      %dma_start3A_53 = arith.constant 0 : i32
      %dma_start3A_54 = tpu.memref_slice %arg10[%mul3A_48, %dma_start3A_53] : memref<10240x128xf32, #tpu.memory_space<vmem_shared>> -> memref<640x128xf32, #tpu.memory_space<vmem_shared>>
      tpu.enqueue_dma source(%dma_start3A_54 : memref<640x128xf32, #tpu.memory_space<vmem_shared>>) target(%dma_start3A_52 : memref<640x128xf32, #tpu.memory_space<hbm>>) target_semaphore(%run_scoped3A : memref<!tpu.dma_semaphore, #tpu.memory_space<semaphore_mem>>)
      %dma_wait3A = arith.constant 0 : i32
      %dma_wait3A_55 = tpu.memref_slice %arg5[%arg0, %mul3A_50, %dma_wait3A] : memref<2x10240x128xf32, #tpu.memory_space<hbm>> -> memref<1x640x128xf32, #tpu.memory_space<hbm>>
      %dma_wait3A_56 = tpu.memref_squeeze %dma_wait3A_55 : memref<1x640x128xf32, #tpu.memory_space<hbm>> -> memref<640x128xf32, #tpu.memory_space<hbm>>
      %dma_wait3A_57 = arith.constant 0 : i32
      %dma_wait3A_58 = tpu.memref_slice %arg10[%mul3A_48, %dma_wait3A_57] : memref<10240x128xf32, #tpu.memory_space<vmem_shared>> -> memref<640x128xf32, #tpu.memory_space<vmem_shared>>
      tpu.wait_dma2 semaphore(%run_scoped3A : memref<!tpu.dma_semaphore, #tpu.memory_space<semaphore_mem>>) src(%dma_wait3A_58 : memref<640x128xf32, #tpu.memory_space<vmem_shared>>) dst(%dma_wait3A_56 : memref<640x128xf32, #tpu.memory_space<hbm>>)
      tpu.yield
    }) : () -> ()
    return
  }
}

#map = affine_map<(d0, d1) -> (0, 0)>
#map1 = affine_map<(d0, d1) -> (0)>
#map2 = affine_map<(d0, d1) -> (0, 0, 0)>
module attributes {stable_mosaic.version = 14 : i64} {
  func.func @_sc_agg_body(%arg0: i32, %arg1: i32, %arg2: memref<10000x128xf32, #tpu.memory_space<hbm>>, %arg3: memref<320000xi32, #tpu.memory_space<hbm>>, %arg4: memref<320000xi32, #tpu.memory_space<hbm>>, %arg5: memref<2x10240x128xf32, #tpu.memory_space<hbm>>, %arg6: memref<80xi32, #tpu.memory_space<vmem>>, %arg7: memref<80xi32, #tpu.memory_space<vmem>>, %arg8: memref<80x128xf32, #tpu.memory_space<vmem>>, %arg9: memref<80x128xf32, #tpu.memory_space<vmem>>, %arg10: memref<10240x128xf32, #tpu.memory_space<vmem_shared>>, %arg11: memref<!tpu.dma_semaphore, #tpu.memory_space<semaphore_mem>>) attributes {dimension_semantics = [#tpu.dimension_semantics<core_parallel>, #tpu.dimension_semantics<subcore_parallel>], iteration_bounds = array<i64: 2, 16>, scalar_prefetch = 0 : i64, scratch_operands = 6 : i64, tpu.core_type = #tpu.core_type<sc_vector_subcore>, window_params = [{transform_indices = #map}, {transform_indices = #map1}, {transform_indices = #map1}, {transform_indices = #map2}]} {
    %mul3A = arith.constant 2 : i32
    %mul3A_0 = arith.muli %arg1, %mul3A : i32
    %add3A = arith.addi %mul3A_0, %arg0 : i32
    %mul3A_1 = arith.constant 10000 : i32
    %mul3A_2 = arith.muli %add3A, %mul3A_1 : i32
    %scan3A = arith.constant 0 : i32
    %scan3A_3 = arith.constant 0 : i32
    %scan3A_4 = arith.constant 80 : i32
    %scan3A_5 = arith.addi %scan3A_3, %scan3A_4 : i32
    %scan3A_6 = arith.constant 1 : i32
    scf.for %scan3A_51 = %scan3A_3 to %scan3A_5 step %scan3A_6  : i32 {
      %broadcast_in_dim3A = arith.constant 0.000000e+00 : f32
      %broadcast_in_dim3A_52 = vector.broadcast %broadcast_in_dim3A : f32 to vector<16xf32>
      %swap3A = arith.index_cast %scan3A_51 : i32 to index
      %swap3A_53 = arith.constant 0 : index
      %swap3A_54 = tpu.vector_load %arg9[%swap3A, %swap3A_53] {strides = array<i32>} : memref<80x128xf32, #tpu.memory_space<vmem>>, vector<1x16xf32>,
      %swap3A_55 = vector.shape_cast %swap3A_54 : vector<1x16xf32> to vector<16xf32>
      %swap3A_56 = vector.shape_cast %broadcast_in_dim3A_52 : vector<16xf32> to vector<1x16xf32>
      tpu.vector_store %arg9[%swap3A, %swap3A_53], %swap3A_56 {strides = array<i32>} : memref<80x128xf32, #tpu.memory_space<vmem>>, vector<1x16xf32>,
      %broadcast_in_dim3A_57 = arith.constant 0.000000e+00 : f32
      %broadcast_in_dim3A_58 = vector.broadcast %broadcast_in_dim3A_57 : f32 to vector<16xf32>
      %swap3A_59 = arith.index_cast %scan3A_51 : i32 to index
      %swap3A_60 = arith.constant 16 : index
      %swap3A_61 = tpu.vector_load %arg9[%swap3A_59, %swap3A_60] {strides = array<i32>} : memref<80x128xf32, #tpu.memory_space<vmem>>, vector<1x16xf32>,
      %swap3A_62 = vector.shape_cast %swap3A_61 : vector<1x16xf32> to vector<16xf32>
      %swap3A_63 = vector.shape_cast %broadcast_in_dim3A_58 : vector<16xf32> to vector<1x16xf32>
      tpu.vector_store %arg9[%swap3A_59, %swap3A_60], %swap3A_63 {strides = array<i32>} : memref<80x128xf32, #tpu.memory_space<vmem>>, vector<1x16xf32>,
      %broadcast_in_dim3A_64 = arith.constant 0.000000e+00 : f32
      %broadcast_in_dim3A_65 = vector.broadcast %broadcast_in_dim3A_64 : f32 to vector<16xf32>
      %swap3A_66 = arith.index_cast %scan3A_51 : i32 to index
      %swap3A_67 = arith.constant 32 : index
      %swap3A_68 = tpu.vector_load %arg9[%swap3A_66, %swap3A_67] {strides = array<i32>} : memref<80x128xf32, #tpu.memory_space<vmem>>, vector<1x16xf32>,
      %swap3A_69 = vector.shape_cast %swap3A_68 : vector<1x16xf32> to vector<16xf32>
      %swap3A_70 = vector.shape_cast %broadcast_in_dim3A_65 : vector<16xf32> to vector<1x16xf32>
      tpu.vector_store %arg9[%swap3A_66, %swap3A_67], %swap3A_70 {strides = array<i32>} : memref<80x128xf32, #tpu.memory_space<vmem>>, vector<1x16xf32>,
      %broadcast_in_dim3A_71 = arith.constant 0.000000e+00 : f32
      %broadcast_in_dim3A_72 = vector.broadcast %broadcast_in_dim3A_71 : f32 to vector<16xf32>
      %swap3A_73 = arith.index_cast %scan3A_51 : i32 to index
      %swap3A_74 = arith.constant 48 : index
      %swap3A_75 = tpu.vector_load %arg9[%swap3A_73, %swap3A_74] {strides = array<i32>} : memref<80x128xf32, #tpu.memory_space<vmem>>, vector<1x16xf32>,
      %swap3A_76 = vector.shape_cast %swap3A_75 : vector<1x16xf32> to vector<16xf32>
      %swap3A_77 = vector.shape_cast %broadcast_in_dim3A_72 : vector<16xf32> to vector<1x16xf32>
      tpu.vector_store %arg9[%swap3A_73, %swap3A_74], %swap3A_77 {strides = array<i32>} : memref<80x128xf32, #tpu.memory_space<vmem>>, vector<1x16xf32>,
      %broadcast_in_dim3A_78 = arith.constant 0.000000e+00 : f32
      %broadcast_in_dim3A_79 = vector.broadcast %broadcast_in_dim3A_78 : f32 to vector<16xf32>
      %swap3A_80 = arith.index_cast %scan3A_51 : i32 to index
      %swap3A_81 = arith.constant 64 : index
      %swap3A_82 = tpu.vector_load %arg9[%swap3A_80, %swap3A_81] {strides = array<i32>} : memref<80x128xf32, #tpu.memory_space<vmem>>, vector<1x16xf32>,
      %swap3A_83 = vector.shape_cast %swap3A_82 : vector<1x16xf32> to vector<16xf32>
      %swap3A_84 = vector.shape_cast %broadcast_in_dim3A_79 : vector<16xf32> to vector<1x16xf32>
      tpu.vector_store %arg9[%swap3A_80, %swap3A_81], %swap3A_84 {strides = array<i32>} : memref<80x128xf32, #tpu.memory_space<vmem>>, vector<1x16xf32>,
      %broadcast_in_dim3A_85 = arith.constant 0.000000e+00 : f32
      %broadcast_in_dim3A_86 = vector.broadcast %broadcast_in_dim3A_85 : f32 to vector<16xf32>
      %swap3A_87 = arith.index_cast %scan3A_51 : i32 to index
      %swap3A_88 = arith.constant 80 : index
      %swap3A_89 = tpu.vector_load %arg9[%swap3A_87, %swap3A_88] {strides = array<i32>} : memref<80x128xf32, #tpu.memory_space<vmem>>, vector<1x16xf32>,
      %swap3A_90 = vector.shape_cast %swap3A_89 : vector<1x16xf32> to vector<16xf32>
      %swap3A_91 = vector.shape_cast %broadcast_in_dim3A_86 : vector<16xf32> to vector<1x16xf32>
      tpu.vector_store %arg9[%swap3A_87, %swap3A_88], %swap3A_91 {strides = array<i32>} : memref<80x128xf32, #tpu.memory_space<vmem>>, vector<1x16xf32>,
      %broadcast_in_dim3A_92 = arith.constant 0.000000e+00 : f32
      %broadcast_in_dim3A_93 = vector.broadcast %broadcast_in_dim3A_92 : f32 to vector<16xf32>
      %swap3A_94 = arith.index_cast %scan3A_51 : i32 to index
      %swap3A_95 = arith.constant 96 : index
      %swap3A_96 = tpu.vector_load %arg9[%swap3A_94, %swap3A_95] {strides = array<i32>} : memref<80x128xf32, #tpu.memory_space<vmem>>, vector<1x16xf32>,
      %swap3A_97 = vector.shape_cast %swap3A_96 : vector<1x16xf32> to vector<16xf32>
      %swap3A_98 = vector.shape_cast %broadcast_in_dim3A_93 : vector<16xf32> to vector<1x16xf32>
      tpu.vector_store %arg9[%swap3A_94, %swap3A_95], %swap3A_98 {strides = array<i32>} : memref<80x128xf32, #tpu.memory_space<vmem>>, vector<1x16xf32>,
      %broadcast_in_dim3A_99 = arith.constant 0.000000e+00 : f32
      %broadcast_in_dim3A_100 = vector.broadcast %broadcast_in_dim3A_99 : f32 to vector<16xf32>
      %swap3A_101 = arith.index_cast %scan3A_51 : i32 to index
      %swap3A_102 = arith.constant 112 : index
      %swap3A_103 = tpu.vector_load %arg9[%swap3A_101, %swap3A_102] {strides = array<i32>} : memref<80x128xf32, #tpu.memory_space<vmem>>, vector<1x16xf32>,
      %swap3A_104 = vector.shape_cast %swap3A_103 : vector<1x16xf32> to vector<16xf32>
      %swap3A_105 = vector.shape_cast %broadcast_in_dim3A_100 : vector<16xf32> to vector<1x16xf32>
      tpu.vector_store %arg9[%swap3A_101, %swap3A_102], %swap3A_105 {strides = array<i32>} : memref<80x128xf32, #tpu.memory_space<vmem>>, vector<1x16xf32>,
    }
    %scan3A_7 = arith.constant 80 : i32
    %mul3A_8 = arith.constant 640 : i32
    %mul3A_9 = arith.muli %arg1, %mul3A_8 : i32
    %add3A_10 = arith.constant 0 : i32
    %add3A_11 = arith.addi %mul3A_9, %add3A_10 : i32
    "tpu.region"() ({
      %run_scoped3A = tpu.sem_alloc : memref<!tpu.dma_semaphore, #tpu.memory_space<semaphore_mem>>
      %dma_start3A = arith.constant 0 : i32
      %dma_start3A_51 = tpu.memref_slice %arg10[%add3A_11, %dma_start3A] : memref<10240x128xf32, #tpu.memory_space<vmem_shared>> -> memref<80x128xf32, #tpu.memory_space<vmem_shared>>
      %dma_start3A_52 = arith.constant 0 : i32
      %dma_start3A_53 = tpu.memref_slice %arg10[%add3A_11, %dma_start3A_52] : memref<10240x128xf32, #tpu.memory_space<vmem_shared>> -> memref<80x128xf32, #tpu.memory_space<vmem_shared>>
      tpu.enqueue_dma source(%arg9 : memref<80x128xf32, #tpu.memory_space<vmem>>) target(%dma_start3A_53 : memref<80x128xf32, #tpu.memory_space<vmem_shared>>) target_semaphore(%run_scoped3A : memref<!tpu.dma_semaphore, #tpu.memory_space<semaphore_mem>>)
      %dma_wait3A = arith.constant 0 : i32
      %dma_wait3A_54 = tpu.memref_slice %arg10[%add3A_11, %dma_wait3A] : memref<10240x128xf32, #tpu.memory_space<vmem_shared>> -> memref<80x128xf32, #tpu.memory_space<vmem_shared>>
      %dma_wait3A_55 = arith.constant 0 : i32
      %dma_wait3A_56 = tpu.memref_slice %arg10[%add3A_11, %dma_wait3A_55] : memref<10240x128xf32, #tpu.memory_space<vmem_shared>> -> memref<80x128xf32, #tpu.memory_space<vmem_shared>>
      tpu.wait_dma2 semaphore(%run_scoped3A : memref<!tpu.dma_semaphore, #tpu.memory_space<semaphore_mem>>) src(%arg9 : memref<80x128xf32, #tpu.memory_space<vmem>>) dst(%dma_wait3A_56 : memref<80x128xf32, #tpu.memory_space<vmem_shared>>)
      tpu.yield
    }) : () -> ()
    %mul3A_12 = arith.constant 640 : i32
    %mul3A_13 = arith.muli %arg1, %mul3A_12 : i32
    %add3A_14 = arith.constant 80 : i32
    %add3A_15 = arith.addi %mul3A_13, %add3A_14 : i32
    "tpu.region"() ({
      %run_scoped3A = tpu.sem_alloc : memref<!tpu.dma_semaphore, #tpu.memory_space<semaphore_mem>>
      %dma_start3A = arith.constant 0 : i32
      %dma_start3A_51 = tpu.memref_slice %arg10[%add3A_15, %dma_start3A] : memref<10240x128xf32, #tpu.memory_space<vmem_shared>> -> memref<80x128xf32, #tpu.memory_space<vmem_shared>>
      %dma_start3A_52 = arith.constant 0 : i32
      %dma_start3A_53 = tpu.memref_slice %arg10[%add3A_15, %dma_start3A_52] : memref<10240x128xf32, #tpu.memory_space<vmem_shared>> -> memref<80x128xf32, #tpu.memory_space<vmem_shared>>
      tpu.enqueue_dma source(%arg9 : memref<80x128xf32, #tpu.memory_space<vmem>>) target(%dma_start3A_53 : memref<80x128xf32, #tpu.memory_space<vmem_shared>>) target_semaphore(%run_scoped3A : memref<!tpu.dma_semaphore, #tpu.memory_space<semaphore_mem>>)
      %dma_wait3A = arith.constant 0 : i32
      %dma_wait3A_54 = tpu.memref_slice %arg10[%add3A_15, %dma_wait3A] : memref<10240x128xf32, #tpu.memory_space<vmem_shared>> -> memref<80x128xf32, #tpu.memory_space<vmem_shared>>
      %dma_wait3A_55 = arith.constant 0 : i32
      %dma_wait3A_56 = tpu.memref_slice %arg10[%add3A_15, %dma_wait3A_55] : memref<10240x128xf32, #tpu.memory_space<vmem_shared>> -> memref<80x128xf32, #tpu.memory_space<vmem_shared>>
      tpu.wait_dma2 semaphore(%run_scoped3A : memref<!tpu.dma_semaphore, #tpu.memory_space<semaphore_mem>>) src(%arg9 : memref<80x128xf32, #tpu.memory_space<vmem>>) dst(%dma_wait3A_56 : memref<80x128xf32, #tpu.memory_space<vmem_shared>>)
      tpu.yield
    }) : () -> ()
    %mul3A_16 = arith.constant 640 : i32
    %mul3A_17 = arith.muli %arg1, %mul3A_16 : i32
    %add3A_18 = arith.constant 160 : i32
    %add3A_19 = arith.addi %mul3A_17, %add3A_18 : i32
    "tpu.region"() ({
      %run_scoped3A = tpu.sem_alloc : memref<!tpu.dma_semaphore, #tpu.memory_space<semaphore_mem>>
      %dma_start3A = arith.constant 0 : i32
      %dma_start3A_51 = tpu.memref_slice %arg10[%add3A_19, %dma_start3A] : memref<10240x128xf32, #tpu.memory_space<vmem_shared>> -> memref<80x128xf32, #tpu.memory_space<vmem_shared>>
      %dma_start3A_52 = arith.constant 0 : i32
      %dma_start3A_53 = tpu.memref_slice %arg10[%add3A_19, %dma_start3A_52] : memref<10240x128xf32, #tpu.memory_space<vmem_shared>> -> memref<80x128xf32, #tpu.memory_space<vmem_shared>>
      tpu.enqueue_dma source(%arg9 : memref<80x128xf32, #tpu.memory_space<vmem>>) target(%dma_start3A_53 : memref<80x128xf32, #tpu.memory_space<vmem_shared>>) target_semaphore(%run_scoped3A : memref<!tpu.dma_semaphore, #tpu.memory_space<semaphore_mem>>)
      %dma_wait3A = arith.constant 0 : i32
      %dma_wait3A_54 = tpu.memref_slice %arg10[%add3A_19, %dma_wait3A] : memref<10240x128xf32, #tpu.memory_space<vmem_shared>> -> memref<80x128xf32, #tpu.memory_space<vmem_shared>>
      %dma_wait3A_55 = arith.constant 0 : i32
      %dma_wait3A_56 = tpu.memref_slice %arg10[%add3A_19, %dma_wait3A_55] : memref<10240x128xf32, #tpu.memory_space<vmem_shared>> -> memref<80x128xf32, #tpu.memory_space<vmem_shared>>
      tpu.wait_dma2 semaphore(%run_scoped3A : memref<!tpu.dma_semaphore, #tpu.memory_space<semaphore_mem>>) src(%arg9 : memref<80x128xf32, #tpu.memory_space<vmem>>) dst(%dma_wait3A_56 : memref<80x128xf32, #tpu.memory_space<vmem_shared>>)
      tpu.yield
    }) : () -> ()
    %mul3A_20 = arith.constant 640 : i32
    %mul3A_21 = arith.muli %arg1, %mul3A_20 : i32
    %add3A_22 = arith.constant 240 : i32
    %add3A_23 = arith.addi %mul3A_21, %add3A_22 : i32
    "tpu.region"() ({
      %run_scoped3A = tpu.sem_alloc : memref<!tpu.dma_semaphore, #tpu.memory_space<semaphore_mem>>
      %dma_start3A = arith.constant 0 : i32
      %dma_start3A_51 = tpu.memref_slice %arg10[%add3A_23, %dma_start3A] : memref<10240x128xf32, #tpu.memory_space<vmem_shared>> -> memref<80x128xf32, #tpu.memory_space<vmem_shared>>
      %dma_start3A_52 = arith.constant 0 : i32
      %dma_start3A_53 = tpu.memref_slice %arg10[%add3A_23, %dma_start3A_52] : memref<10240x128xf32, #tpu.memory_space<vmem_shared>> -> memref<80x128xf32, #tpu.memory_space<vmem_shared>>
      tpu.enqueue_dma source(%arg9 : memref<80x128xf32, #tpu.memory_space<vmem>>) target(%dma_start3A_53 : memref<80x128xf32, #tpu.memory_space<vmem_shared>>) target_semaphore(%run_scoped3A : memref<!tpu.dma_semaphore, #tpu.memory_space<semaphore_mem>>)
      %dma_wait3A = arith.constant 0 : i32
      %dma_wait3A_54 = tpu.memref_slice %arg10[%add3A_23, %dma_wait3A] : memref<10240x128xf32, #tpu.memory_space<vmem_shared>> -> memref<80x128xf32, #tpu.memory_space<vmem_shared>>
      %dma_wait3A_55 = arith.constant 0 : i32
      %dma_wait3A_56 = tpu.memref_slice %arg10[%add3A_23, %dma_wait3A_55] : memref<10240x128xf32, #tpu.memory_space<vmem_shared>> -> memref<80x128xf32, #tpu.memory_space<vmem_shared>>
      tpu.wait_dma2 semaphore(%run_scoped3A : memref<!tpu.dma_semaphore, #tpu.memory_space<semaphore_mem>>) src(%arg9 : memref<80x128xf32, #tpu.memory_space<vmem>>) dst(%dma_wait3A_56 : memref<80x128xf32, #tpu.memory_space<vmem_shared>>)
      tpu.yield
    }) : () -> ()
    %mul3A_24 = arith.constant 640 : i32
    %mul3A_25 = arith.muli %arg1, %mul3A_24 : i32
    %add3A_26 = arith.constant 320 : i32
    %add3A_27 = arith.addi %mul3A_25, %add3A_26 : i32
    "tpu.region"() ({
      %run_scoped3A = tpu.sem_alloc : memref<!tpu.dma_semaphore, #tpu.memory_space<semaphore_mem>>
      %dma_start3A = arith.constant 0 : i32
      %dma_start3A_51 = tpu.memref_slice %arg10[%add3A_27, %dma_start3A] : memref<10240x128xf32, #tpu.memory_space<vmem_shared>> -> memref<80x128xf32, #tpu.memory_space<vmem_shared>>
      %dma_start3A_52 = arith.constant 0 : i32
      %dma_start3A_53 = tpu.memref_slice %arg10[%add3A_27, %dma_start3A_52] : memref<10240x128xf32, #tpu.memory_space<vmem_shared>> -> memref<80x128xf32, #tpu.memory_space<vmem_shared>>
      tpu.enqueue_dma source(%arg9 : memref<80x128xf32, #tpu.memory_space<vmem>>) target(%dma_start3A_53 : memref<80x128xf32, #tpu.memory_space<vmem_shared>>) target_semaphore(%run_scoped3A : memref<!tpu.dma_semaphore, #tpu.memory_space<semaphore_mem>>)
      %dma_wait3A = arith.constant 0 : i32
      %dma_wait3A_54 = tpu.memref_slice %arg10[%add3A_27, %dma_wait3A] : memref<10240x128xf32, #tpu.memory_space<vmem_shared>> -> memref<80x128xf32, #tpu.memory_space<vmem_shared>>
      %dma_wait3A_55 = arith.constant 0 : i32
      %dma_wait3A_56 = tpu.memref_slice %arg10[%add3A_27, %dma_wait3A_55] : memref<10240x128xf32, #tpu.memory_space<vmem_shared>> -> memref<80x128xf32, #tpu.memory_space<vmem_shared>>
      tpu.wait_dma2 semaphore(%run_scoped3A : memref<!tpu.dma_semaphore, #tpu.memory_space<semaphore_mem>>) src(%arg9 : memref<80x128xf32, #tpu.memory_space<vmem>>) dst(%dma_wait3A_56 : memref<80x128xf32, #tpu.memory_space<vmem_shared>>)
      tpu.yield
    }) : () -> ()
    %mul3A_28 = arith.constant 640 : i32
    %mul3A_29 = arith.muli %arg1, %mul3A_28 : i32
    %add3A_30 = arith.constant 400 : i32
    %add3A_31 = arith.addi %mul3A_29, %add3A_30 : i32
    "tpu.region"() ({
      %run_scoped3A = tpu.sem_alloc : memref<!tpu.dma_semaphore, #tpu.memory_space<semaphore_mem>>
      %dma_start3A = arith.constant 0 : i32
      %dma_start3A_51 = tpu.memref_slice %arg10[%add3A_31, %dma_start3A] : memref<10240x128xf32, #tpu.memory_space<vmem_shared>> -> memref<80x128xf32, #tpu.memory_space<vmem_shared>>
      %dma_start3A_52 = arith.constant 0 : i32
      %dma_start3A_53 = tpu.memref_slice %arg10[%add3A_31, %dma_start3A_52] : memref<10240x128xf32, #tpu.memory_space<vmem_shared>> -> memref<80x128xf32, #tpu.memory_space<vmem_shared>>
      tpu.enqueue_dma source(%arg9 : memref<80x128xf32, #tpu.memory_space<vmem>>) target(%dma_start3A_53 : memref<80x128xf32, #tpu.memory_space<vmem_shared>>) target_semaphore(%run_scoped3A : memref<!tpu.dma_semaphore, #tpu.memory_space<semaphore_mem>>)
      %dma_wait3A = arith.constant 0 : i32
      %dma_wait3A_54 = tpu.memref_slice %arg10[%add3A_31, %dma_wait3A] : memref<10240x128xf32, #tpu.memory_space<vmem_shared>> -> memref<80x128xf32, #tpu.memory_space<vmem_shared>>
      %dma_wait3A_55 = arith.constant 0 : i32
      %dma_wait3A_56 = tpu.memref_slice %arg10[%add3A_31, %dma_wait3A_55] : memref<10240x128xf32, #tpu.memory_space<vmem_shared>> -> memref<80x128xf32, #tpu.memory_space<vmem_shared>>
      tpu.wait_dma2 semaphore(%run_scoped3A : memref<!tpu.dma_semaphore, #tpu.memory_space<semaphore_mem>>) src(%arg9 : memref<80x128xf32, #tpu.memory_space<vmem>>) dst(%dma_wait3A_56 : memref<80x128xf32, #tpu.memory_space<vmem_shared>>)
      tpu.yield
    }) : () -> ()
    %mul3A_32 = arith.constant 640 : i32
    %mul3A_33 = arith.muli %arg1, %mul3A_32 : i32
    %add3A_34 = arith.constant 480 : i32
    %add3A_35 = arith.addi %mul3A_33, %add3A_34 : i32
    "tpu.region"() ({
      %run_scoped3A = tpu.sem_alloc : memref<!tpu.dma_semaphore, #tpu.memory_space<semaphore_mem>>
      %dma_start3A = arith.constant 0 : i32
      %dma_start3A_51 = tpu.memref_slice %arg10[%add3A_35, %dma_start3A] : memref<10240x128xf32, #tpu.memory_space<vmem_shared>> -> memref<80x128xf32, #tpu.memory_space<vmem_shared>>
      %dma_start3A_52 = arith.constant 0 : i32
      %dma_start3A_53 = tpu.memref_slice %arg10[%add3A_35, %dma_start3A_52] : memref<10240x128xf32, #tpu.memory_space<vmem_shared>> -> memref<80x128xf32, #tpu.memory_space<vmem_shared>>
      tpu.enqueue_dma source(%arg9 : memref<80x128xf32, #tpu.memory_space<vmem>>) target(%dma_start3A_53 : memref<80x128xf32, #tpu.memory_space<vmem_shared>>) target_semaphore(%run_scoped3A : memref<!tpu.dma_semaphore, #tpu.memory_space<semaphore_mem>>)
      %dma_wait3A = arith.constant 0 : i32
      %dma_wait3A_54 = tpu.memref_slice %arg10[%add3A_35, %dma_wait3A] : memref<10240x128xf32, #tpu.memory_space<vmem_shared>> -> memref<80x128xf32, #tpu.memory_space<vmem_shared>>
      %dma_wait3A_55 = arith.constant 0 : i32
      %dma_wait3A_56 = tpu.memref_slice %arg10[%add3A_35, %dma_wait3A_55] : memref<10240x128xf32, #tpu.memory_space<vmem_shared>> -> memref<80x128xf32, #tpu.memory_space<vmem_shared>>
      tpu.wait_dma2 semaphore(%run_scoped3A : memref<!tpu.dma_semaphore, #tpu.memory_space<semaphore_mem>>) src(%arg9 : memref<80x128xf32, #tpu.memory_space<vmem>>) dst(%dma_wait3A_56 : memref<80x128xf32, #tpu.memory_space<vmem_shared>>)
      tpu.yield
    }) : () -> ()
    %mul3A_36 = arith.constant 640 : i32
    %mul3A_37 = arith.muli %arg1, %mul3A_36 : i32
    %add3A_38 = arith.constant 560 : i32
    %add3A_39 = arith.addi %mul3A_37, %add3A_38 : i32
    "tpu.region"() ({
      %run_scoped3A = tpu.sem_alloc : memref<!tpu.dma_semaphore, #tpu.memory_space<semaphore_mem>>
      %dma_start3A = arith.constant 0 : i32
      %dma_start3A_51 = tpu.memref_slice %arg10[%add3A_39, %dma_start3A] : memref<10240x128xf32, #tpu.memory_space<vmem_shared>> -> memref<80x128xf32, #tpu.memory_space<vmem_shared>>
      %dma_start3A_52 = arith.constant 0 : i32
      %dma_start3A_53 = tpu.memref_slice %arg10[%add3A_39, %dma_start3A_52] : memref<10240x128xf32, #tpu.memory_space<vmem_shared>> -> memref<80x128xf32, #tpu.memory_space<vmem_shared>>
      tpu.enqueue_dma source(%arg9 : memref<80x128xf32, #tpu.memory_space<vmem>>) target(%dma_start3A_53 : memref<80x128xf32, #tpu.memory_space<vmem_shared>>) target_semaphore(%run_scoped3A : memref<!tpu.dma_semaphore, #tpu.memory_space<semaphore_mem>>)
      %dma_wait3A = arith.constant 0 : i32
      %dma_wait3A_54 = tpu.memref_slice %arg10[%add3A_39, %dma_wait3A] : memref<10240x128xf32, #tpu.memory_space<vmem_shared>> -> memref<80x128xf32, #tpu.memory_space<vmem_shared>>
      %dma_wait3A_55 = arith.constant 0 : i32
      %dma_wait3A_56 = tpu.memref_slice %arg10[%add3A_39, %dma_wait3A_55] : memref<10240x128xf32, #tpu.memory_space<vmem_shared>> -> memref<80x128xf32, #tpu.memory_space<vmem_shared>>
      tpu.wait_dma2 semaphore(%run_scoped3A : memref<!tpu.dma_semaphore, #tpu.memory_space<semaphore_mem>>) src(%arg9 : memref<80x128xf32, #tpu.memory_space<vmem>>) dst(%dma_wait3A_56 : memref<80x128xf32, #tpu.memory_space<vmem_shared>>)
      tpu.yield
    }) : () -> ()
    %barrier3A = arith.constant 0 : index
    tpu.barrier barrier_id(%barrier3A)
    %scan3A_40 = arith.constant 0 : i32
    %scan3A_41 = arith.constant 0 : i32
    %scan3A_42 = arith.constant 125 : i32
    %scan3A_43 = arith.addi %scan3A_41, %scan3A_42 : i32
    %scan3A_44 = arith.constant 1 : i32
    scf.for %scan3A_51 = %scan3A_41 to %scan3A_43 step %scan3A_44  : i32 {
      %mul3A_52 = arith.constant 80 : i32
      %mul3A_53 = arith.muli %scan3A_51, %mul3A_52 : i32
      %add3A_54 = arith.addi %mul3A_2, %mul3A_53 : i32
      "tpu.region"() ({
        %run_scoped3A = tpu.sem_alloc : memref<!tpu.dma_semaphore, #tpu.memory_space<semaphore_mem>>
        %dma_start3A_59 = tpu.memref_slice %arg3[%add3A_54] : memref<320000xi32, #tpu.memory_space<hbm>> -> memref<80xi32, #tpu.memory_space<hbm>>
        %dma_start3A_60 = tpu.memref_slice %arg3[%add3A_54] : memref<320000xi32, #tpu.memory_space<hbm>> -> memref<80xi32, #tpu.memory_space<hbm>>
        tpu.enqueue_dma source(%dma_start3A_60 : memref<80xi32, #tpu.memory_space<hbm>>) target(%arg6 : memref<80xi32, #tpu.memory_space<vmem>>) target_semaphore(%run_scoped3A : memref<!tpu.dma_semaphore, #tpu.memory_space<semaphore_mem>>)
        %dma_wait3A_61 = tpu.memref_slice %arg3[%add3A_54] : memref<320000xi32, #tpu.memory_space<hbm>> -> memref<80xi32, #tpu.memory_space<hbm>>
        %dma_wait3A_62 = tpu.memref_slice %arg3[%add3A_54] : memref<320000xi32, #tpu.memory_space<hbm>> -> memref<80xi32, #tpu.memory_space<hbm>>
        tpu.wait_dma2 semaphore(%run_scoped3A : memref<!tpu.dma_semaphore, #tpu.memory_space<semaphore_mem>>) src(%dma_wait3A_62 : memref<80xi32, #tpu.memory_space<hbm>>) dst(%arg6 : memref<80xi32, #tpu.memory_space<vmem>>)
        tpu.yield
      }) : () -> ()
      "tpu.region"() ({
        %run_scoped3A = tpu.sem_alloc : memref<!tpu.dma_semaphore, #tpu.memory_space<semaphore_mem>>
        %dma_start3A_59 = tpu.memref_slice %arg4[%add3A_54] : memref<320000xi32, #tpu.memory_space<hbm>> -> memref<80xi32, #tpu.memory_space<hbm>>
        %dma_start3A_60 = tpu.memref_slice %arg4[%add3A_54] : memref<320000xi32, #tpu.memory_space<hbm>> -> memref<80xi32, #tpu.memory_space<hbm>>
        tpu.enqueue_dma source(%dma_start3A_60 : memref<80xi32, #tpu.memory_space<hbm>>) target(%arg7 : memref<80xi32, #tpu.memory_space<vmem>>) target_semaphore(%run_scoped3A : memref<!tpu.dma_semaphore, #tpu.memory_space<semaphore_mem>>)
        %dma_wait3A_61 = tpu.memref_slice %arg4[%add3A_54] : memref<320000xi32, #tpu.memory_space<hbm>> -> memref<80xi32, #tpu.memory_space<hbm>>
        %dma_wait3A_62 = tpu.memref_slice %arg4[%add3A_54] : memref<320000xi32, #tpu.memory_space<hbm>> -> memref<80xi32, #tpu.memory_space<hbm>>
        tpu.wait_dma2 semaphore(%run_scoped3A : memref<!tpu.dma_semaphore, #tpu.memory_space<semaphore_mem>>) src(%dma_wait3A_62 : memref<80xi32, #tpu.memory_space<hbm>>) dst(%arg7 : memref<80xi32, #tpu.memory_space<vmem>>)
        tpu.yield
      }) : () -> ()
      %dma_start3A = arith.constant 0 : i32
      %dma_start3A_55 = arith.constant 0 : i32
      %dma_start3A_56 = tpu.memref_slice %arg2[%dma_start3A, %dma_start3A_55] : memref<10000x128xf32, #tpu.memory_space<hbm>> -> memref<10000x128xf32, #tpu.memory_space<hbm>>
      tpu.enqueue_indirect_dma source(%dma_start3A_56 : memref<10000x128xf32, #tpu.memory_space<hbm>>) target(%arg8 : memref<80x128xf32, #tpu.memory_space<vmem>>) offsets(%arg6 : memref<80xi32, #tpu.memory_space<vmem>>) semaphore(%arg11 : memref<!tpu.dma_semaphore, #tpu.memory_space<semaphore_mem>>)
      %dma_wait3A = arith.constant 0 : i32
      %dma_wait3A_57 = arith.constant 0 : i32
      %dma_wait3A_58 = tpu.memref_slice %arg2[%dma_wait3A, %dma_wait3A_57] : memref<10000x128xf32, #tpu.memory_space<hbm>> -> memref<10000x128xf32, #tpu.memory_space<hbm>>
      tpu.wait_indirect_dma semaphore(%arg11 : memref<!tpu.dma_semaphore, #tpu.memory_space<semaphore_mem>>) src(%dma_wait3A_58 : memref<10000x128xf32, #tpu.memory_space<hbm>>) dst(%arg8 : memref<80x128xf32, #tpu.memory_space<vmem>>)
      "tpu.region"() ({
        %run_scoped3A = tpu.sem_alloc : memref<!tpu.dma_semaphore, #tpu.memory_space<semaphore_mem>>
        %dma_start3A_59 = arith.constant 0 : i32
        %dma_start3A_60 = arith.constant 0 : i32
        %dma_start3A_61 = tpu.memref_slice %arg10[%dma_start3A_59, %dma_start3A_60] : memref<10240x128xf32, #tpu.memory_space<vmem_shared>> -> memref<10240x128xf32, #tpu.memory_space<vmem_shared>>
        tpu.enqueue_indirect_dma source(%arg8 : memref<80x128xf32, #tpu.memory_space<vmem>>) target(%dma_start3A_61 : memref<10240x128xf32, #tpu.memory_space<vmem_shared>>) offsets(%arg7 : memref<80xi32, #tpu.memory_space<vmem>>) semaphore(%run_scoped3A : memref<!tpu.dma_semaphore, #tpu.memory_space<semaphore_mem>>) {add = true}
        %dma_wait3A_62 = arith.constant 0 : i32
        %dma_wait3A_63 = arith.constant 0 : i32
        %dma_wait3A_64 = tpu.memref_slice %arg10[%dma_wait3A_62, %dma_wait3A_63] : memref<10240x128xf32, #tpu.memory_space<vmem_shared>> -> memref<10240x128xf32, #tpu.memory_space<vmem_shared>>
        tpu.wait_indirect_dma semaphore(%run_scoped3A : memref<!tpu.dma_semaphore, #tpu.memory_space<semaphore_mem>>) src(%arg8 : memref<80x128xf32, #tpu.memory_space<vmem>>) dst(%dma_wait3A_64 : memref<10240x128xf32, #tpu.memory_space<vmem_shared>>)
        tpu.yield
      }) : () -> ()
    }
    %scan3A_45 = arith.constant 125 : i32
    %barrier3A_46 = arith.constant 0 : index
    tpu.barrier barrier_id(%barrier3A_46)
    %mul3A_47 = arith.constant 640 : i32
    %mul3A_48 = arith.muli %arg1, %mul3A_47 : i32
    %mul3A_49 = arith.constant 640 : i32
    %mul3A_50 = arith.muli %arg1, %mul3A_49 : i32
    "tpu.region"() ({
      %run_scoped3A = tpu.sem_alloc : memref<!tpu.dma_semaphore, #tpu.memory_space<semaphore_mem>>
      %dma_start3A = arith.constant 0 : i32
      %dma_start3A_51 = tpu.memref_slice %arg5[%arg0, %mul3A_50, %dma_start3A] : memref<2x10240x128xf32, #tpu.memory_space<hbm>> -> memref<1x640x128xf32, #tpu.memory_space<hbm>>
      %dma_start3A_52 = tpu.memref_squeeze %dma_start3A_51 : memref<1x640x128xf32, #tpu.memory_space<hbm>> -> memref<640x128xf32, #tpu.memory_space<hbm>>
      %dma_start3A_53 = arith.constant 0 : i32
      %dma_start3A_54 = tpu.memref_slice %arg10[%mul3A_48, %dma_start3A_53] : memref<10240x128xf32, #tpu.memory_space<vmem_shared>> -> memref<640x128xf32, #tpu.memory_space<vmem_shared>>
      tpu.enqueue_dma source(%dma_start3A_54 : memref<640x128xf32, #tpu.memory_space<vmem_shared>>) target(%dma_start3A_52 : memref<640x128xf32, #tpu.memory_space<hbm>>) target_semaphore(%run_scoped3A : memref<!tpu.dma_semaphore, #tpu.memory_space<semaphore_mem>>)
      %dma_wait3A = arith.constant 0 : i32
      %dma_wait3A_55 = tpu.memref_slice %arg5[%arg0, %mul3A_50, %dma_wait3A] : memref<2x10240x128xf32, #tpu.memory_space<hbm>> -> memref<1x640x128xf32, #tpu.memory_space<hbm>>
      %dma_wait3A_56 = tpu.memref_squeeze %dma_wait3A_55 : memref<1x640x128xf32, #tpu.memory_space<hbm>> -> memref<640x128xf32, #tpu.memory_space<hbm>>
      %dma_wait3A_57 = arith.constant 0 : i32
      %dma_wait3A_58 = tpu.memref_slice %arg10[%mul3A_48, %dma_wait3A_57] : memref<10240x128xf32, #tpu.memory_space<vmem_shared>> -> memref<640x128xf32, #tpu.memory_space<vmem_shared>>
      tpu.wait_dma2 semaphore(%run_scoped3A : memref<!tpu.dma_semaphore, #tpu.memory_space<semaphore_mem>>) src(%dma_wait3A_58 : memref<640x128xf32, #tpu.memory_space<vmem_shared>>) dst(%dma_wait3A_56 : memref<640x128xf32, #tpu.memory_space<hbm>>)
      tpu.yield
    }) : () -> ()
    return
  }
}

module attributes {stable_mosaic.version = 14 : i64} {
  func.func @_tc_dinv_body(%arg0: memref<2x80x128xf32, #tpu.memory_space<vmem>>, %arg1: memref<80x128xf32, #tpu.memory_space<vmem>>) attributes {dimension_semantics = [], scalar_prefetch = 0 : i64, scratch_operands = 0 : i64, tpu.core_type = #tpu.core_type<tc>} {
    %get3A = arith.constant 0 : index
    %get3A_0 = arith.constant 0 : index
    %get3A_1 = arith.constant 0 : index
    %get3A_2 = vector.load %arg0[%get3A, %get3A_0, %get3A_1] : memref<2x80x128xf32, #tpu.memory_space<vmem>>, vector<1x80x128xf32>
    %get3A_3 = vector.shape_cast %get3A_2 : vector<1x80x128xf32> to vector<80x128xf32>
    %get3A_4 = arith.constant 1 : index
    %get3A_5 = arith.constant 0 : index
    %get3A_6 = arith.constant 0 : index
    %get3A_7 = vector.load %arg0[%get3A_4, %get3A_5, %get3A_6] : memref<2x80x128xf32, #tpu.memory_space<vmem>>, vector<1x80x128xf32>
    %get3A_8 = vector.shape_cast %get3A_7 : vector<1x80x128xf32> to vector<80x128xf32>
    %add3A = arith.addf %get3A_3, %get3A_8 : vector<80x128xf32>
    %add3A_9 = arith.constant 1.000000e+00 : f32
    %add3A_10 = vector.broadcast %add3A_9 : f32 to vector<80x128xf32>
    %add3A_11 = arith.addf %add3A, %add3A_10 : vector<80x128xf32>
    %rsqrt3A = math.rsqrt %add3A_11 : vector<80x128xf32>
    %swap3A = arith.constant 0 : index
    %swap3A_12 = arith.constant 0 : index
    %swap3A_13 = vector.load %arg1[%swap3A, %swap3A_12] : memref<80x128xf32, #tpu.memory_space<vmem>>, vector<80x128xf32>
    tpu.vector_store %arg1[%swap3A, %swap3A_12], %rsqrt3A {strides = array<i32>} : memref<80x128xf32, #tpu.memory_space<vmem>>, vector<80x128xf32>,
    return
  }
}

module attributes {stable_mosaic.version = 14 : i64} {
  func.func @_tc_pre_body(%arg0: i32, %arg1: memref<1000x128xf32, #tpu.memory_space<vmem>>, %arg2: memref<128x128xf32, #tpu.memory_space<vmem>>, %arg3: memref<1x128xf32, #tpu.memory_space<vmem>>, %arg4: memref<128x128xf32, #tpu.memory_space<vmem>>, %arg5: memref<1000x1xf32, #tpu.memory_space<vmem>>, %arg6: memref<1000x128xf32, #tpu.memory_space<vmem>>, %arg7: memref<1000x128xf32, #tpu.memory_space<vmem>>) attributes {dimension_semantics = [#tpu.dimension_semantics<arbitrary>], iteration_bounds = array<i64: 10>, scalar_prefetch = 0 : i64, scratch_operands = 0 : i64, tpu.core_type = #tpu.core_type<tc>, window_params = [{transform_indices = @transform_0, window_bounds = array<i64: 1000, 128>}, {pipeline_mode = #tpu.pipeline_mode<synchronous>, transform_indices = @transform_1, window_bounds = array<i64: 128, 128>}, {pipeline_mode = #tpu.pipeline_mode<synchronous>, transform_indices = @transform_2, window_bounds = array<i64: 1, 128>}, {pipeline_mode = #tpu.pipeline_mode<synchronous>, transform_indices = @transform_3, window_bounds = array<i64: 128, 128>}, {transform_indices = @transform_4, window_bounds = array<i64: 1000, 1>}, {transform_indices = @transform_5, window_bounds = array<i64: 1000, 128>}, {transform_indices = @transform_6, window_bounds = array<i64: 1000, 128>}]} {
    %get3A = arith.constant 0 : index
    %get3A_0 = arith.constant 0 : index
    %get3A_1 = vector.load %arg1[%get3A, %get3A_0] : memref<1000x128xf32, #tpu.memory_space<vmem>>, vector<1000x128xf32>
    %get3A_2 = arith.constant 0 : index
    %get3A_3 = arith.constant 0 : index
    %get3A_4 = vector.load %arg2[%get3A_2, %get3A_3] : memref<128x128xf32, #tpu.memory_space<vmem>>, vector<128x128xf32>
    %dot_general3A = arith.constant dense<0.000000e+00> : vector<1000x128xf32>
    %dot_general3A_5 = tpu.matmul %get3A_1, %get3A_4, %dot_general3A {dimension_numbers = #tpu.dot_dimension_numbers<[1], [0], [0], [1], [0, 0, 1, 1], [], []>, transpose_lhs_hint = false} : vector<1000x128xf32>, vector<128x128xf32>, vector<1000x128xf32> -> vector<1000x128xf32>
    %get3A_6 = arith.constant 0 : index
    %get3A_7 = arith.constant 0 : index
    %get3A_8 = vector.load %arg3[%get3A_6, %get3A_7] : memref<1x128xf32, #tpu.memory_space<vmem>>, vector<1x128xf32>
    %add3A = vector.broadcast %get3A_8 : vector<1x128xf32> to vector<1000x128xf32>
    %add3A_9 = arith.addf %dot_general3A_5, %add3A : vector<1000x128xf32>
    %swap3A = arith.constant 0 : index
    %swap3A_10 = arith.constant 0 : index
    %swap3A_11 = vector.load %arg6[%swap3A, %swap3A_10] : memref<1000x128xf32, #tpu.memory_space<vmem>>, vector<1000x128xf32>
    tpu.vector_store %arg6[%swap3A, %swap3A_10], %add3A_9 {strides = array<i32>} : memref<1000x128xf32, #tpu.memory_space<vmem>>, vector<1000x128xf32>,
    %get3A_12 = arith.constant 0 : index
    %get3A_13 = arith.constant 0 : index
    %get3A_14 = vector.load %arg4[%get3A_12, %get3A_13] : memref<128x128xf32, #tpu.memory_space<vmem>>, vector<128x128xf32>
    %dot_general3A_15 = arith.constant dense<0.000000e+00> : vector<1000x128xf32>
    %dot_general3A_16 = tpu.matmul %add3A_9, %get3A_14, %dot_general3A_15 {dimension_numbers = #tpu.dot_dimension_numbers<[1], [0], [0], [1], [0, 0, 1, 1], [], []>, transpose_lhs_hint = false} : vector<1000x128xf32>, vector<128x128xf32>, vector<1000x128xf32> -> vector<1000x128xf32>
    %get3A_17 = arith.constant 0 : index
    %get3A_18 = arith.constant 0 : index
    %get3A_19 = vector.load %arg5[%get3A_17, %get3A_18] : memref<1000x1xf32, #tpu.memory_space<vmem>>, vector<1000x1xf32>
    %mul3A = vector.broadcast %get3A_19 : vector<1000x1xf32> to vector<1000x128xf32>
    %mul3A_20 = arith.mulf %dot_general3A_16, %mul3A : vector<1000x128xf32>
    %swap3A_21 = arith.constant 0 : index
    %swap3A_22 = arith.constant 0 : index
    %swap3A_23 = vector.load %arg7[%swap3A_21, %swap3A_22] : memref<1000x128xf32, #tpu.memory_space<vmem>>, vector<1000x128xf32>
    tpu.vector_store %arg7[%swap3A_21, %swap3A_22], %mul3A_20 {strides = array<i32>} : memref<1000x128xf32, #tpu.memory_space<vmem>>, vector<1000x128xf32>,
    return
  }
  func.func @transform_0(%arg0: i32) -> (i32, i32) {
    %c0_i32 = arith.constant 0 : i32
    %c0_i32_0 = arith.constant 0 : i32
    return %arg0, %c0_i32 : i32, i32
  }
  func.func @transform_1(%arg0: i32) -> (i32, i32) {
    %c0_i32 = arith.constant 0 : i32
    %c0_i32_0 = arith.constant 0 : i32
    %c0_i32_1 = arith.constant 0 : i32
    return %c0_i32, %c0_i32_0 : i32, i32
  }
  func.func @transform_2(%arg0: i32) -> (i32, i32) {
    %c0_i32 = arith.constant 0 : i32
    %c0_i32_0 = arith.constant 0 : i32
    %c0_i32_1 = arith.constant 0 : i32
    return %c0_i32, %c0_i32_0 : i32, i32
  }
  func.func @transform_3(%arg0: i32) -> (i32, i32) {
    %c0_i32 = arith.constant 0 : i32
    %c0_i32_0 = arith.constant 0 : i32
    %c0_i32_1 = arith.constant 0 : i32
    return %c0_i32, %c0_i32_0 : i32, i32
  }
  func.func @transform_4(%arg0: i32) -> (i32, i32) {
    %c0_i32 = arith.constant 0 : i32
    %c0_i32_0 = arith.constant 0 : i32
    return %arg0, %c0_i32 : i32, i32
  }
  func.func @transform_5(%arg0: i32) -> (i32, i32) {
    %c0_i32 = arith.constant 0 : i32
    %c0_i32_0 = arith.constant 0 : i32
    return %arg0, %c0_i32 : i32, i32
  }
  func.func @transform_6(%arg0: i32) -> (i32, i32) {
    %c0_i32 = arith.constant 0 : i32
    %c0_i32_0 = arith.constant 0 : i32
    return %arg0, %c0_i32 : i32, i32
  }
}

module attributes {stable_mosaic.version = 14 : i64} {
  func.func @_tc_mid_body(%arg0: i32, %arg1: memref<1000x128xf32, #tpu.memory_space<vmem>>, %arg2: memref<1000x128xf32, #tpu.memory_space<vmem>>, %arg3: memref<1000x128xf32, #tpu.memory_space<vmem>>, %arg4: memref<1000x128xf32, #tpu.memory_space<vmem>>, %arg5: memref<1000x1xf32, #tpu.memory_space<vmem>>, %arg6: memref<1x128xf32, #tpu.memory_space<vmem>>, %arg7: memref<128x128xf32, #tpu.memory_space<vmem>>, %arg8: memref<1000x128xf32, #tpu.memory_space<vmem>>, %arg9: memref<1000x128xf32, #tpu.memory_space<vmem>>) attributes {dimension_semantics = [#tpu.dimension_semantics<arbitrary>], iteration_bounds = array<i64: 10>, scalar_prefetch = 0 : i64, scratch_operands = 0 : i64, tpu.core_type = #tpu.core_type<tc>, window_params = [{transform_indices = @transform_0, window_bounds = array<i64: 1000, 128>}, {transform_indices = @transform_1, window_bounds = array<i64: 1000, 128>}, {transform_indices = @transform_2, window_bounds = array<i64: 1000, 128>}, {transform_indices = @transform_3, window_bounds = array<i64: 1000, 128>}, {transform_indices = @transform_4, window_bounds = array<i64: 1000, 1>}, {pipeline_mode = #tpu.pipeline_mode<synchronous>, transform_indices = @transform_5, window_bounds = array<i64: 1, 128>}, {pipeline_mode = #tpu.pipeline_mode<synchronous>, transform_indices = @transform_6, window_bounds = array<i64: 128, 128>}, {transform_indices = @transform_7, window_bounds = array<i64: 1000, 128>}, {transform_indices = @transform_8, window_bounds = array<i64: 1000, 128>}]} {
    %get3A = arith.constant 0 : index
    %get3A_0 = arith.constant 0 : index
    %get3A_1 = vector.load %arg1[%get3A, %get3A_0] : memref<1000x128xf32, #tpu.memory_space<vmem>>, vector<1000x128xf32>
    %get3A_2 = arith.constant 0 : index
    %get3A_3 = arith.constant 0 : index
    %get3A_4 = vector.load %arg5[%get3A_2, %get3A_3] : memref<1000x1xf32, #tpu.memory_space<vmem>>, vector<1000x1xf32>
    %get3A_5 = arith.constant 0 : index
    %get3A_6 = arith.constant 0 : index
    %get3A_7 = vector.load %arg3[%get3A_5, %get3A_6] : memref<1000x128xf32, #tpu.memory_space<vmem>>, vector<1000x128xf32>
    %get3A_8 = arith.constant 0 : index
    %get3A_9 = arith.constant 0 : index
    %get3A_10 = vector.load %arg4[%get3A_8, %get3A_9] : memref<1000x128xf32, #tpu.memory_space<vmem>>, vector<1000x128xf32>
    %add3A = arith.addf %get3A_7, %get3A_10 : vector<1000x128xf32>
    %get3A_11 = arith.constant 0 : index
    %get3A_12 = arith.constant 0 : index
    %get3A_13 = vector.load %arg2[%get3A_11, %get3A_12] : memref<1000x128xf32, #tpu.memory_space<vmem>>, vector<1000x128xf32>
    %add3A_14 = arith.addf %add3A, %get3A_13 : vector<1000x128xf32>
    %mul3A = vector.broadcast %get3A_4 : vector<1000x1xf32> to vector<1000x128xf32>
    %mul3A_15 = arith.mulf %mul3A, %add3A_14 : vector<1000x128xf32>
    %add3A_16 = arith.addf %get3A_1, %mul3A_15 : vector<1000x128xf32>
    %get3A_17 = arith.constant 0 : index
    %get3A_18 = arith.constant 0 : index
    %get3A_19 = vector.load %arg6[%get3A_17, %get3A_18] : memref<1x128xf32, #tpu.memory_space<vmem>>, vector<1x128xf32>
    %add3A_20 = vector.broadcast %get3A_19 : vector<1x128xf32> to vector<1000x128xf32>
    %add3A_21 = arith.addf %add3A_16, %add3A_20 : vector<1000x128xf32>
    %swap3A = arith.constant 0 : index
    %swap3A_22 = arith.constant 0 : index
    %swap3A_23 = vector.load %arg8[%swap3A, %swap3A_22] : memref<1000x128xf32, #tpu.memory_space<vmem>>, vector<1000x128xf32>
    tpu.vector_store %arg8[%swap3A, %swap3A_22], %add3A_21 {strides = array<i32>} : memref<1000x128xf32, #tpu.memory_space<vmem>>, vector<1000x128xf32>,
    %get3A_24 = arith.constant 0 : index
    %get3A_25 = arith.constant 0 : index
    %get3A_26 = vector.load %arg7[%get3A_24, %get3A_25] : memref<128x128xf32, #tpu.memory_space<vmem>>, vector<128x128xf32>
    %dot_general3A = arith.constant dense<0.000000e+00> : vector<1000x128xf32>
    %dot_general3A_27 = tpu.matmul %add3A_21, %get3A_26, %dot_general3A {dimension_numbers = #tpu.dot_dimension_numbers<[1], [0], [0], [1], [0, 0, 1, 1], [], []>, transpose_lhs_hint = false} : vector<1000x128xf32>, vector<128x128xf32>, vector<1000x128xf32> -> vector<1000x128xf32>
    %get3A_28 = arith.constant 0 : index
    %get3A_29 = arith.constant 0 : index
    %get3A_30 = vector.load %arg5[%get3A_28, %get3A_29] : memref<1000x1xf32, #tpu.memory_space<vmem>>, vector<1000x1xf32>
    %mul3A_31 = vector.broadcast %get3A_30 : vector<1000x1xf32> to vector<1000x128xf32>
    %mul3A_32 = arith.mulf %dot_general3A_27, %mul3A_31 : vector<1000x128xf32>
    %swap3A_33 = arith.constant 0 : index
    %swap3A_34 = arith.constant 0 : index
    %swap3A_35 = vector.load %arg9[%swap3A_33, %swap3A_34] : memref<1000x128xf32, #tpu.memory_space<vmem>>, vector<1000x128xf32>
    tpu.vector_store %arg9[%swap3A_33, %swap3A_34], %mul3A_32 {strides = array<i32>} : memref<1000x128xf32, #tpu.memory_space<vmem>>, vector<1000x128xf32>,
    return
  }
  func.func @transform_0(%arg0: i32) -> (i32, i32) {
    %c0_i32 = arith.constant 0 : i32
    %c0_i32_0 = arith.constant 0 : i32
    return %arg0, %c0_i32 : i32, i32
  }
  func.func @transform_1(%arg0: i32) -> (i32, i32) {
    %c0_i32 = arith.constant 0 : i32
    %c0_i32_0 = arith.constant 0 : i32
    return %arg0, %c0_i32 : i32, i32
  }
  func.func @transform_2(%arg0: i32) -> (i32, i32) {
    %c0_i32 = arith.constant 0 : i32
    %c0_i32_0 = arith.constant 0 : i32
    return %arg0, %c0_i32 : i32, i32
  }
  func.func @transform_3(%arg0: i32) -> (i32, i32) {
    %c0_i32 = arith.constant 0 : i32
    %c0_i32_0 = arith.constant 0 : i32
    return %arg0, %c0_i32 : i32, i32
  }
  func.func @transform_4(%arg0: i32) -> (i32, i32) {
    %c0_i32 = arith.constant 0 : i32
    %c0_i32_0 = arith.constant 0 : i32
    return %arg0, %c0_i32 : i32, i32
  }
  func.func @transform_5(%arg0: i32) -> (i32, i32) {
    %c0_i32 = arith.constant 0 : i32
    %c0_i32_0 = arith.constant 0 : i32
    %c0_i32_1 = arith.constant 0 : i32
    return %c0_i32, %c0_i32_0 : i32, i32
  }
  func.func @transform_6(%arg0: i32) -> (i32, i32) {
    %c0_i32 = arith.constant 0 : i32
    %c0_i32_0 = arith.constant 0 : i32
    %c0_i32_1 = arith.constant 0 : i32
    return %c0_i32, %c0_i32_0 : i32, i32
  }
  func.func @transform_7(%arg0: i32) -> (i32, i32) {
    %c0_i32 = arith.constant 0 : i32
    %c0_i32_0 = arith.constant 0 : i32
    return %arg0, %c0_i32 : i32, i32
  }
  func.func @transform_8(%arg0: i32) -> (i32, i32) {
    %c0_i32 = arith.constant 0 : i32
    %c0_i32_0 = arith.constant 0 : i32
    return %arg0, %c0_i32 : i32, i32
  }
}

module attributes {stable_mosaic.version = 14 : i64} {
  func.func @_tc_fin_body(%arg0: i32, %arg1: memref<1000x128xf32, #tpu.memory_space<vmem>>, %arg2: memref<1000x128xf32, #tpu.memory_space<vmem>>, %arg3: memref<1000x128xf32, #tpu.memory_space<vmem>>, %arg4: memref<1000x128xf32, #tpu.memory_space<vmem>>, %arg5: memref<1000x1xf32, #tpu.memory_space<vmem>>, %arg6: memref<1x128xf32, #tpu.memory_space<vmem>>, %arg7: memref<1000x128xf32, #tpu.memory_space<vmem>>) attributes {dimension_semantics = [#tpu.dimension_semantics<arbitrary>], iteration_bounds = array<i64: 10>, scalar_prefetch = 0 : i64, scratch_operands = 0 : i64, tpu.core_type = #tpu.core_type<tc>, window_params = [{transform_indices = @transform_0, window_bounds = array<i64: 1000, 128>}, {transform_indices = @transform_1, window_bounds = array<i64: 1000, 128>}, {transform_indices = @transform_2, window_bounds = array<i64: 1000, 128>}, {transform_indices = @transform_3, window_bounds = array<i64: 1000, 128>}, {transform_indices = @transform_4, window_bounds = array<i64: 1000, 1>}, {pipeline_mode = #tpu.pipeline_mode<synchronous>, transform_indices = @transform_5, window_bounds = array<i64: 1, 128>}, {transform_indices = @transform_6, window_bounds = array<i64: 1000, 128>}]} {
    %get3A = arith.constant 0 : index
    %get3A_0 = arith.constant 0 : index
    %get3A_1 = vector.load %arg1[%get3A, %get3A_0] : memref<1000x128xf32, #tpu.memory_space<vmem>>, vector<1000x128xf32>
    %get3A_2 = arith.constant 0 : index
    %get3A_3 = arith.constant 0 : index
    %get3A_4 = vector.load %arg5[%get3A_2, %get3A_3] : memref<1000x1xf32, #tpu.memory_space<vmem>>, vector<1000x1xf32>
    %get3A_5 = arith.constant 0 : index
    %get3A_6 = arith.constant 0 : index
    %get3A_7 = vector.load %arg3[%get3A_5, %get3A_6] : memref<1000x128xf32, #tpu.memory_space<vmem>>, vector<1000x128xf32>
    %get3A_8 = arith.constant 0 : index
    %get3A_9 = arith.constant 0 : index
    %get3A_10 = vector.load %arg4[%get3A_8, %get3A_9] : memref<1000x128xf32, #tpu.memory_space<vmem>>, vector<1000x128xf32>
    %add3A = arith.addf %get3A_7, %get3A_10 : vector<1000x128xf32>
    %get3A_11 = arith.constant 0 : index
    %get3A_12 = arith.constant 0 : index
    %get3A_13 = vector.load %arg2[%get3A_11, %get3A_12] : memref<1000x128xf32, #tpu.memory_space<vmem>>, vector<1000x128xf32>
    %add3A_14 = arith.addf %add3A, %get3A_13 : vector<1000x128xf32>
    %mul3A = vector.broadcast %get3A_4 : vector<1000x1xf32> to vector<1000x128xf32>
    %mul3A_15 = arith.mulf %mul3A, %add3A_14 : vector<1000x128xf32>
    %add3A_16 = arith.addf %get3A_1, %mul3A_15 : vector<1000x128xf32>
    %get3A_17 = arith.constant 0 : index
    %get3A_18 = arith.constant 0 : index
    %get3A_19 = vector.load %arg6[%get3A_17, %get3A_18] : memref<1x128xf32, #tpu.memory_space<vmem>>, vector<1x128xf32>
    %add3A_20 = vector.broadcast %get3A_19 : vector<1x128xf32> to vector<1000x128xf32>
    %add3A_21 = arith.addf %add3A_16, %add3A_20 : vector<1000x128xf32>
    %ge3A = arith.constant 0.000000e+00 : f32
    %ge3A_22 = vector.broadcast %ge3A : f32 to vector<1000x128xf32>
    %ge3A_23 = arith.cmpf oge, %add3A_21, %ge3A_22 : vector<1000x128xf32>
    %mul3A_24 = arith.constant 1.000000e-01 : f32
    %mul3A_25 = vector.broadcast %mul3A_24 : f32 to vector<1000x128xf32>
    %mul3A_26 = arith.mulf %mul3A_25, %add3A_21 : vector<1000x128xf32>
    %select_n3A = arith.select %ge3A_23, %add3A_21, %mul3A_26 : vector<1000x128xi1>, vector<1000x128xf32>
    %swap3A = arith.constant 0 : index
    %swap3A_27 = arith.constant 0 : index
    %swap3A_28 = vector.load %arg7[%swap3A, %swap3A_27] : memref<1000x128xf32, #tpu.memory_space<vmem>>, vector<1000x128xf32>
    tpu.vector_store %arg7[%swap3A, %swap3A_27], %select_n3A {strides = array<i32>} : memref<1000x128xf32, #tpu.memory_space<vmem>>, vector<1000x128xf32>,
    return
  }
  func.func @transform_0(%arg0: i32) -> (i32, i32) {
    %c0_i32 = arith.constant 0 : i32
    %c0_i32_0 = arith.constant 0 : i32
    return %arg0, %c0_i32 : i32, i32
  }
  func.func @transform_1(%arg0: i32) -> (i32, i32) {
    %c0_i32 = arith.constant 0 : i32
    %c0_i32_0 = arith.constant 0 : i32
    return %arg0, %c0_i32 : i32, i32
  }
  func.func @transform_2(%arg0: i32) -> (i32, i32) {
    %c0_i32 = arith.constant 0 : i32
    %c0_i32_0 = arith.constant 0 : i32
    return %arg0, %c0_i32 : i32, i32
  }
  func.func @transform_3(%arg0: i32) -> (i32, i32) {
    %c0_i32 = arith.constant 0 : i32
    %c0_i32_0 = arith.constant 0 : i32
    return %arg0, %c0_i32 : i32, i32
  }
  func.func @transform_4(%arg0: i32) -> (i32, i32) {
    %c0_i32 = arith.constant 0 : i32
    %c0_i32_0 = arith.constant 0 : i32
    return %arg0, %c0_i32 : i32, i32
  }
  func.func @transform_5(%arg0: i32) -> (i32, i32) {
    %c0_i32 = arith.constant 0 : i32
    %c0_i32_0 = arith.constant 0 : i32
    %c0_i32_1 = arith.constant 0 : i32
    return %c0_i32, %c0_i32_0 : i32, i32
  }
  func.func @transform_6(%arg0: i32) -> (i32, i32) {
    %c0_i32 = arith.constant 0 : i32
    %c0_i32_0 = arith.constant 0 : i32
    return %arg0, %c0_i32 : i32, i32
  }
}

</mosaic_0001>

<sc_bundles>
// kernel: kernel.12.cloned.1.call-start
scs
__scs_entry_jumppad:
0x0: {  	(pc) =	sbr.rel $0x88, $3  }
0x1: {  	(tag) =	ssettag $0x0;
	lr =	simm.s32 $0x1  }
0x2: {  	[smem:$0x3F99] =	sst lr;
	_ =	strace $0xD0000000  }
0x3: {  	_ = 	snop  }
0x4: {  	_ = 	snop  }
0x5: {  	_ = 	snop  }
0x6: {  	_ = 	snop  }
0x7: {  	_ = 	snop  }
__scs_overlays_trampoline_lowered:
0x8: {  	[smem:$0x3FA8] =	sst s0  }
0x9: {  	[smem:$0x3FA9] =	sst s1  }
0xa: {  	[smem:$0x3FAA] =	sst s2  }
0xb: {  	[smem:$0x3FAB] =	sst s3  }
0xc: {  	[smem:$0x3FAC] =	sst s4  }
0xd: {  	[smem:$0x3FAD] =	sst s5  }
0xe: {  	[smem:$0x3FAE] =	sst s6  }
0xf: {  	[smem:$0x3FAF] =	sst s7  }
0x10: {  	[smem:$0x3FB0] =	sst s8  }
0x11: {  	[smem:$0x3FB1] =	sst s9;
	s0 =	simm.s32 @!p0 $0x0  }
0x12: {  	s1 =	sld [smem:$0x3F97];
	s0 =	simm.s32 @p0 $0x1  }
0x13: {  	[smem:$0x3FB2] =	sst s0;
	s0 =	simm.s32 @!p1 $0x0  }
0x14: {  	s2 =	sld [smem:$0x3F96];
	s0 =	simm.s32 @p1 $0x1  }
0x15: {  	[smem:$0x3FB3] =	sst s0;
	s0 =	simm.s32 @!p2 $0x0  }
0x16: {  	s3 =	sld [smem:$0x3FDB];
	s0 =	simm.s32 @p2 $0x1  }
0x17: {  	s4 =	simm.s32 $0x1BF5;
	[smem:$0x3FB5] =	sst s0  }
0x18: {  	s0 =	sld [smem:$0x3F98];
	_ =	swait.ge [sflag:s4], $0x0  }
0x19: {  	s7 =	sld [smem:$0x3F99]  }
0x1a: {  	s8 =	sadd.s32 $0xFFFFE003, lr  }
0x1b: {  	s9 =	sadd.s32 $0xFFFFFEF7, lr;
	s5 =	simm.s32 $0xFFFFFFFF;
	p2 =	slt.u32 s8, $0xFFFFF086  }
0x1c: {  	p1 =	slt.u32 s9, $0xF7A;
	s5 =	simm.s32 @!p2 $0x0  }
0x1d: {  	s5 =	simm.s32 @p1 $0x1;
	p0 =	seq.s32 s7, s2  }
0x1e: {  	s7 =	smul.u32 @!p0 $0xF7A, s2;
	p2 =	seq.s32 @!p0 s5, $0x0  }
0x1f: {  	s9 =	smul.u32 $0xF7A, s1;
	s8 =	simm.s32 @!p0 $0x1BF5;
	p2 =	por !p2, p0  }
0x20: {  	[sflag:s8] =	ssyncset.s32 @!p0 $0xFFFFF086;
	s6 =	sadd.s32 @!p0 s3, s7;
	s7 =	simm.s32 @!p0 $0x108  }
0x21: {  	s3 =	sadd.s32 s3, s9;
	s6 =	sadd.s32 @!p0 $0x88, s6;
	s7 =	simm.s32 @p2 $0x1082  }
0x22: {  	[simem:s7], [sflag:s8] =	dma.local @!p0 [hbm:s6], $0xF7A  }
0x23: {  	s9 =	sor.u32 $0xD0000000, s2;
	s6 =	simm.s32 $0x108;
	_ =	swait.ge @!p0 [sflag:s8], $0x0  }
0x24: {  	s3 =	sadd.s32 $0x88, s3;
	s6 =	simm.s32 @!p1 $0x1082;
	[sflag:s4] =	ssyncset.s32 $0xFFFFF086  }
0x25: {  	[simem:s6], [sflag:s4] =	dma.local [hbm:s3], $0xF7A  }
0x26: {  	[smem:$0x3F99] =	sst s1;
	(tag) =	ssettag s2;
	_ =	strace s9  }
0x27: {  	s1 =	sld [smem:$0x3FA9]  }
0x28: {  	s2 =	sld [smem:$0x3FAA]  }
0x29: {  	s4 =	sld [smem:$0x3FAC]  }
0x2a: {  	p0 =	seq.s32 s5, $0x0;
	s5 =	sld [smem:$0x3FAD]  }
0x2b: {  	s6 =	sld [smem:$0x3FAE]  }
0x2c: {  	s7 =	sld [smem:$0x3FAF]  }
0x2d: {  	s3 =	simm.s32 $0x108;
	s8 =	sld [smem:$0x3FB0]  }
0x2e: {  	s3 =	simm.s32 @!p0 $0x1082;
	s9 =	sld [smem:$0x3FB1]  }
0x2f: {  	lr =	sadd.s32 s0, s3;
	s0 =	sld [smem:$0x3FA8]  }
0x30: {  	s3 =	sld [smem:$0x3FAB]  }
0x31: {  	[smem:$0x3FB4] =	sst s10  }
0x32: {  	s10 =	sld [smem:$0x3FB2];
	_ =	sdelay $0x3  }
0x33: {  	p0 =	seq.s32 s10, $0x1;
	s10 =	sld [smem:$0x3FB4];
	_ =	sdelay $0x3  }
0x34: {  	[smem:$0x3FB4] =	sst s10  }
0x35: {  	s10 =	sld [smem:$0x3FB3];
	_ =	sdelay $0x3  }
0x36: {  	p1 =	seq.s32 s10, $0x1;
	s10 =	sld [smem:$0x3FB4];
	_ =	sdelay $0x3  }
0x37: {  	[smem:$0x3FB4] =	sst s10  }
0x38: {  	s10 =	sld [smem:$0x3FB5]  }
0x39: {  	_ = 	snop;
	(pc) =	sbr.ind lr, $3  }
0x3a: {  	_ = 	snop  }
0x3b: {  	_ = 	snop  }
0x3c: {  	p2 =	seq.s32 s10, $0x1;
	s10 =	sld [smem:$0x3FB4]  }
0x3d: {  	_ =	shalt  }
0x3e: {  	_ =	shalt  }
0x3f: {  	_ =	shalt  }
0x40: {  	_ =	shalt  }
0x41: {  	_ =	shalt  }
0x42: {  	_ =	shalt  }
0x43: {  	_ =	shalt  }
0x44: {  	_ =	shalt  }
0x45: {  	_ =	shalt  }
0x46: {  	_ =	shalt  }
0x47: {  	_ =	shalt  }
0x48: {  	_ =	shalt  }
0x49: {  	_ =	shalt  }
0x4a: {  	_ =	shalt  }
0x4b: {  	_ =	shalt  }
0x4c: {  	_ =	shalt  }
0x4d: {  	_ =	shalt  }
0x4e: {  	_ =	shalt  }
0x4f: {  	_ =	shalt  }
0x50: {  	_ =	shalt  }
0x51: {  	_ =	shalt  }
0x52: {  	_ =	shalt  }
0x53: {  	_ =	shalt  }
0x54: {  	_ =	shalt  }
0x55: {  	_ =	shalt  }
0x56: {  	_ =	shalt  }
0x57: {  	_ =	shalt  }
0x58: {  	_ =	shalt  }
0x59: {  	_ =	shalt  }
0x5a: {  	_ =	shalt  }
0x5b: {  	_ =	shalt  }
0x5c: {  	_ =	shalt  }
0x5d: {  	_ =	shalt  }
0x5e: {  	_ =	shalt  }
0x5f: {  	_ =	shalt  }
0x60: {  	_ =	shalt  }
0x61: {  	_ =	shalt  }
0x62: {  	_ =	shalt  }
0x63: {  	_ =	shalt  }
0x64: {  	_ =	shalt  }
0x65: {  	_ =	shalt  }
0x66: {  	_ =	shalt  }
0x67: {  	_ =	shalt  }
0x68: {  	_ =	shalt  }
0x69: {  	_ =	shalt  }
0x6a: {  	_ =	shalt  }
0x6b: {  	_ =	shalt  }
0x6c: {  	_ =	shalt  }
0x6d: {  	_ =	shalt  }
0x6e: {  	_ =	shalt  }
0x6f: {  	_ =	shalt  }
0x70: {  	_ =	shalt  }
0x71: {  	_ =	shalt  }
0x72: {  	_ =	shalt  }
0x73: {  	_ =	shalt  }
0x74: {  	_ =	shalt  }
0x75: {  	_ =	shalt  }
0x76: {  	_ =	shalt  }
0x77: {  	_ =	shalt  }
0x78: {  	_ =	shalt  }
0x79: {  	_ =	shalt  }
0x7a: {  	_ =	shalt  }
0x7b: {  	_ =	shalt  }
0x7c: {  	_ =	shalt  }
0x7d: {  	_ =	shalt  }
0x7e: {  	_ =	shalt  }
0x7f: {  	_ =	shalt  }
0x80: {  	_ =	shalt  }
0x81: {  	_ =	shalt  }
0x82: {  	_ =	shalt  }
0x83: {  	_ =	shalt  }
0x84: {  	_ =	shalt  }
0x85: {  	_ =	shalt  }
0x86: {  	_ =	shalt  }
0x87: {  	_ =	shalt  }
.Lfunc_end0:
.L_simem_size_0:
called_computation.1_lowered:
.L_overlay_start_0:
0x88: {  	s2 =	sld [smem:$0x3FD9]  }
0x89: {  	s3 =	sld [smem:$0x3FFE];
	_ =	sdelay $0x1  }
0x8a: {  	s1 =	srdreg.scid  }
0x8b: {  	s0 =	sand.u32 $0x1, s1  }
0x8c: {  	s17 =	sshll.u32 s0, $0xA;
	s2 =	sadd.s32 s3, s2  }
0x8d: {  	s2 =	sadd.s32 s2, s17  }
0x8e: {  	[smem:$0x3FC0] =	sst s2  }
0x8f: {  	_ = 	snop  }
0x90: {  	s2 =	sld [smem:$0x3FD0];
	(tm) =	ssettm $0x1  }
0x91: {  	s18 =	sld [smem:$0x3FFB];
	_ =	sdelay $0x3  }
0x92: {  	_ =	strace s18  }
0x93: {  	s3 =	sld [smem:$0x3FFC];
	_ =	sdelay $0x3  }
0x94: {  	_ =	strace s3  }
0x95: {  	s3 =	sld [smem:$0x3FFD];
	_ =	sdelay $0x3  }
0x96: {  	_ =	strace s3  }
0x97: {  	_ =	strace $0x8FFFFFFF  }
0x98: {  	s19 =	sld [smem:$0x3FDB];
	_ =	sdelay $0x1  }
0x99: {  	s4 =	simm.s32 $_scs_section_size  }
0x9a: {  	s5 =	simm.s32 $_size__tile_overlayer_lowered;
	s6 =	simm.s32 $_tile_overlayer_lowered  }
0x9b: {  	s22 =	simm.s32 $0x1BFF;
	s21 =	sshll.u32 s6, $0x1;
	s3 =	sadd.s32 s4, s19  }
0x9c: {  	s7 =	simm.s32 $0x0;
	s20 =	sshll.u32 s5, $0x1;
	s5 =	sadd.s32 s21, s3  }
0x9d: {  	[timem:s7], [sflag:s22] =	dma.local [hbm:s5], s20  }
0x9e: {  	_ =	swait.ge [sflag:s22], s20  }
0x9f: {  	s4 =	ssub.s32 $0x0, s20;
	[sflag:s22] =	ssyncset.done $0x0  }
0xa0: {  	[sflag:s22] =	ssyncadd.s32 s4;
	_ =	sdelay $0x1  }
0xa1: {  	s23 =	simm.s32 $0x1B8B  }
0xa2: {  	_ =	swait.ge [sflag:s23], $0x1  }
0xa3: {  	[sflag:s23] =	ssyncset.done $0x0  }
0xa4: {  	s25 =	simm.s32 $0x1B8E;
	s24 =	sld [smem:$0x3FFE];
	[sflag:s23] =	ssyncadd.s32 $0xFFFFFFFF  }
0xa5: {  	s26 =	simm.s32 $execute0_lowered;
	[smem:$0x3FD2] =	sst s25  }
0xa6: {  	s5 =	sshll.u32 s26, $0x1;
	_ =	strace $0x80000049;
	[dreg:$0x1] =	wrdreg $0xFFFFFFFF  }
0xa7: {  	s28 =	simm.s32 $_size_execute0_lowered;
	s3 =	sadd.s32 s3, s5;
	[dreg:$0x0] =	wrdreg $0x0  }
0xa8: {  	s5 =	sshll.u32 s28, $0x1;
	[dreg:$0x2] =	wrdreg s3  }
0xa9: {  	[dreg:$0x3] =	wrdreg s5  }
0xaa: {  	[dreg:$0x4] =	wrdreg $0xC0  }
0xab: {  	_ =	task [dreg:s7], $0x5FFFF  }
0xac: {  	[dreg:$0x1] =	wrdreg $0xFFFFFFFF  }
0xad: {  	[dreg:$0x0] =	wrdreg $0x60  }
0xae: {  	[dreg:$0x2] =	wrdreg s2  }
0xaf: {  	[dreg:$0x3] =	wrdreg s24  }
0xb0: {  	[dreg:$0x4] =	wrdreg $0x51000  }
0xb1: {  	[dreg:$0x5] =	wrdreg $0x9  }
0xb2: {  	_ =	task.clear_ibuf [dreg:s7], $0x6FFFF;
	_ =	strace $0x90000049  }
0xb3: {  	s29 =	simm.s32 $0x9;
	_ =	strace $0x8000004B  }
0xb4: {  	_ =	swait.ge [sflag:s29], $0x1  }
0xb5: {  	[sflag:s29] =	ssyncadd.s32 $0xFFFFFFFF  }
0xb6: {  	_ =	strace $0x9000004B  }
0xb7: {  	_ =	sfence  }
0xb8: {  	s30 =	sld [smem:$0x0];
	_ =	sdelay $0x2  }
0xb9: {  	s31 =	sshll.u32 s1, $0xD;
	s1 =	sshrl.u32 s1, $0x2  }
0xba: {  	s3 =	sand.u32 $0x4000, s31;
	s1 =	sadd.s32 s1, s30  }
0xbb: {  	s0 =	sor.u32 s3, s0;
	s1 =	sshll.u32 s1, $0x11  }
0xbc: {  	s0 =	sor.u32 s1, s0  }
0xbd: {  	s0 =	sadd.s32 $0x8F2B, s0  }
0xbe: {  	[sflag:s0] =	ssyncadd.remote.s32 $0x1  }
0xbf: {  	_ =	sfence.sel $0xFFFF  }
0xc0: {  	[dreg:$0x0] =	wrdreg $0xFFFFFFFF;
	(pc) =	sbr.abs _section_cstart, $3  }
0xc1: {  	[dreg:$0x1] =	wrdreg $0xFFFFFFFF  }
0xc2: {  	_ =	task.clear_ibuf [dreg:s7], $0x2FFFF;
	_ =	strace $0x9FFFFFFF  }
0xc3: {  	(tm) =	ssettm $0x7FFFFFFF  }
tec
execute0_lowered:
.L_overlay_start_1:
0x0: {  	(tag) =	ssettag $0x1  }
0x1: {  	s1 =	rddreg [dreg:$0x0]  }
0x2: {  	s2 =	srdreg.scid;
	s5 =	rddreg [dreg:$0x1]  }
0x3: {  	s0 =	stileid.u32;
	s3 =	rddreg [dreg:$0x2]  }
0x4: {  	s4 =	simm.s32 $0x0;
	s17 =	simm.s32 $0x2900;
	s18 =	simm.s32 $0x2  }
0x5: {  	s19 =	simm.s32 $0x80;
	s20 =	simm.s32 $0x50;
	s7 =	smul.u32 $0x4E20, s0  }
0x6: {  	s21 =	simm.s32 $0x100;
	s22 =	simm.s32 $0x1;
	s28 =	smul.u32 $0x14000, s0  }
0x7: {  	s6 =	sand.u32 $0x1, s2;
	s2 =	rddreg [dreg:$0x3];
	s10 =	smul.u32 $0x50000, s0  }
0x8: {  	s23 =	simm.s32 $0x0;
	[smem:$0x7FF] =	sst s4;
	s8 =	smul.u32 $0x2710, s6  }
0x9: {  	s9 =	smul.u32 $0x140000, s6;
	_ =	strace $0x8000004A;
	s6 =	ssub.s32 $0x2, s6  }
0xa: {  	s30 =	sshrl.u32 s6, $0x1;
	s31 =	sshrl.u32 s10, $0x2;
	s7 =	sadd.s32 s8, s7  }
0xb: {  	s29 =	sadd.s32 s28, s9;
	s14 =	ssub.s32 s6, s30;
	s7 =	sshrl.u32 s7, $0x3  }
0xc: {  	s14 =	smax.u32 s14, $0x1;
	s16 =	sadd.s32 s7, s5;
	s7 =	sshrl.u32 s29, $0x3  }
0xd: {  	s13 =	sadd.s32 s7, s5;
	s5 =	sadd.s32 s31, s3;
	s15 =	sadd.s32 $0xCE00, s16  }
0xe: {  	s16 =	sadd.s32 $0x3000, s16;
	s6 =	sadd.s32 $0x2800, s5;
	s7 =	sadd.s32 $0x5000, s5  }
0xf: {  	s8 =	sadd.s32 $0x7800, s5;
	s9 =	sadd.s32 $0xA000, s5;
	s10 =	sadd.s32 $0xC800, s5  }
0x10: {  	v0 =	vimm.f32 $0.0e+00;
	s11 =	sadd.s32 $0xF000, s5;
	s12 =	sadd.s32 $0x11800, s5;
	s13 =	sadd.s32 $0x3DE00, s13  }
.LBB2_1:
0x11: {  	s24 =	simm.s32 $0x0;
	s25 =	simm.s32 $0x200  }
.LBB2_2:
0x12: {  	p0 =	sne.s32 s25, $0x9E00;
	[tilespmem:s24+$0x2970] =	vst v0  }
0x13: {  	[tilespmem:s24+$0x2900] =	vst v0  }
0x14: {  	[tilespmem:s24+$0x2910] =	vst v0  }
.Ltmp0:
0x15: {  	[tilespmem:s24+$0x2920] =	vst v0;
	(pc) =	sbr.rel @p0 .LBB2_2-.Ltmp0, $4  }
0x16: {  	[tilespmem:s24+$0x2930] =	vst v0  }
0x17: {  	[tilespmem:s24+$0x2940] =	vst v0  }
0x18: {  	[tilespmem:s24+$0x2950] =	vst v0  }
0x19: {  	[tilespmem:s24+$0x2960] =	vst v0;
	s24 =	sshra.s32 s25, $0x2;
	s25 =	sadd.s32 $0x200, s25  }
0x1a: {  	[tilespmem:s24+$0x2970] =	vst v0  }
0x1b: {  	[tilespmem:s24+$0x2900] =	vst v0  }
0x1c: {  	[tilespmem:s24+$0x2910] =	vst v0  }
0x1d: {  	[tilespmem:s24+$0x2920] =	vst v0  }
0x1e: {  	[tilespmem:s24+$0x2930] =	vst v0  }
0x1f: {  	[tilespmem:s24+$0x2940] =	vst v0  }
0x20: {  	[tilespmem:s24+$0x2950] =	vst v0  }
0x21: {  	[tilespmem:s24+$0x2960] =	vst v0  }
0x22: {  	[spmem:s5] =	stream.linear.scatter [tilespmem:s17], [sflag:$0x2], $0x2800, $0x38;
	[tilespmem:$0x19100] =	vst v63  }
0x23: {  	_ =	swait.ge [sflag:s18], $0x2800  }
0x24: {  	[sflag:s18] =	ssyncset.done $0x0  }
0x25: {  	[sflag:s18] =	ssyncadd.s32 $0xFFFFD800  }
0x26: {  	[spmem:s6] =	stream.linear.scatter [tilespmem:s17], [sflag:$0x2], $0x2800, $0x38;
	[tilespmem:$0x19100] =	vst v63  }
0x27: {  	_ =	swait.ge [sflag:s18], $0x2800  }
0x28: {  	[sflag:s18] =	ssyncset.done $0x0  }
0x29: {  	[sflag:s18] =	ssyncadd.s32 $0xFFFFD800  }
0x2a: {  	[spmem:s7] =	stream.linear.scatter [tilespmem:s17], [sflag:$0x2], $0x2800, $0x38;
	[tilespmem:$0x19100] =	vst v63  }
0x2b: {  	_ =	swait.ge [sflag:s18], $0x2800  }
0x2c: {  	[sflag:s18] =	ssyncset.done $0x0  }
0x2d: {  	[sflag:s18] =	ssyncadd.s32 $0xFFFFD800  }
0x2e: {  	[spmem:s8] =	stream.linear.scatter [tilespmem:s17], [sflag:$0x2], $0x2800, $0x38;
	[tilespmem:$0x19100] =	vst v63  }
0x2f: {  	_ =	swait.ge [sflag:s18], $0x2800  }
0x30: {  	[sflag:s18] =	ssyncset.done $0x0  }
0x31: {  	[sflag:s18] =	ssyncadd.s32 $0xFFFFD800  }
0x32: {  	[spmem:s9] =	stream.linear.scatter [tilespmem:s17], [sflag:$0x2], $0x2800, $0x38;
	[tilespmem:$0x19100] =	vst v63  }
0x33: {  	_ =	swait.ge [sflag:s18], $0x2800  }
0x34: {  	[sflag:s18] =	ssyncset.done $0x0  }
0x35: {  	[sflag:s18] =	ssyncadd.s32 $0xFFFFD800  }
0x36: {  	[spmem:s10] =	stream.linear.scatter [tilespmem:s17], [sflag:$0x2], $0x2800, $0x38;
	[tilespmem:$0x19100] =	vst v63  }
0x37: {  	_ =	swait.ge [sflag:s18], $0x2800  }
0x38: {  	[sflag:s18] =	ssyncset.done $0x0  }
0x39: {  	[sflag:s18] =	ssyncadd.s32 $0xFFFFD800  }
0x3a: {  	[spmem:s11] =	stream.linear.scatter [tilespmem:s17], [sflag:$0x2], $0x2800, $0x38;
	[tilespmem:$0x19100] =	vst v63  }
0x3b: {  	_ =	swait.ge [sflag:s18], $0x2800  }
0x3c: {  	[sflag:s18] =	ssyncset.done $0x0  }
0x3d: {  	[sflag:s18] =	ssyncadd.s32 $0xFFFFD800  }
0x3e: {  	[spmem:s12] =	stream.linear.scatter [tilespmem:s17], [sflag:$0x2], $0x2800, $0x38;
	[tilespmem:$0x19100] =	vst v63  }
0x3f: {  	_ =	swait.ge [sflag:s18], $0x2800  }
0x40: {  	[sflag:s18] =	ssyncset.done $0x0  }
0x41: {  	[sflag:s18] =	ssyncadd.s32 $0xFFFFD800  }
0x42: {  	s30 =	sadd.s32 $0x0, s16;
	[bflag:$0x0] =	sbarrier.arrive $0xFFFF  }
0x43: {  	[tilespmem:s4], [sflag:$0x2] =	stream.linear.gather [hbm4b:s30+s4], $0x50, $0x38;
	[tilespmem:$0x19100] =	vst v63  }
0x44: {  	_ =	swait.ge [sflag:s18], $0x50  }
0x45: {  	[sflag:s18] =	ssyncset.done $0x0  }
0x46: {  	s31 =	sadd.s32 $0x0, s15;
	[sflag:s18] =	ssyncadd.s32 $0xFFFFFFB0  }
0x47: {  	[tilespmem:s19], [sflag:$0x2] =	stream.linear.gather [hbm4b:s31+s4], $0x50, $0x38;
	[tilespmem:$0x19100] =	vst v63  }
0x48: {  	_ =	swait.ge [sflag:s18], $0x50  }
0x49: {  	[sflag:s18] =	ssyncset.done $0x0  }
0x4a: {  	[sflag:s18] =	ssyncadd.s32 $0xFFFFFFB0  }
0x4b: {  	[tilespmem:s21], [sflag:$0x1] =	stream.indirect.gather [hbm4b:s1+s20], $0x80, s4, s20, $0xb8;
	[tilespmem:$0x19100] =	vst v63  }
0x4c: {  	_ =	swait.ge [sflag:s22], $0x2800  }
0x4d: {  	[sflag:s22] =	ssyncset.done $0x0  }
0x4e: {  	[sflag:s22] =	ssyncadd.s32 $0xFFFFD800  }
0x4f: {  	[spmem:s3] =	stream.indirect.scatter.add.f32 [tilespmem:s21], [sflag:$0x2], $0x80, s19, s20, $0xb8;
	[tilespmem:$0x19100] =	vst v63  }
0x50: {  	_ =	swait.ge [sflag:s18], $0x2800  }
0x51: {  	s24 =	simm.s32 $0xA;
	s25 =	simm.s32 $0x14;
	[sflag:s18] =	ssyncset.done $0x0  }
.LBB2_4:
0x52: {  	s26 =	sadd.s32 s24, s16  }
0x53: {  	[sflag:s18] =	ssyncadd.s32 $0xFFFFD800;
	s28 =	smov.u32 s25;
	s29 =	sadd.s32 $0xA, s25  }
0x54: {  	[tilespmem:s4], [sflag:$0x2] =	stream.linear.gather [hbm4b:s26+s4], $0x50, $0x38;
	[tilespmem:$0x19100] =	vst v63  }
0x55: {  	p0 =	sne.s32 s25, $0x4D8;
	_ =	swait.ge [sflag:s18], $0x50  }
0x56: {  	[sflag:s18] =	ssyncset.done $0x0  }
0x57: {  	s25 =	sadd.s32 s24, s15;
	s24 =	smov.u32 s28;
	[sflag:s18] =	ssyncadd.s32 $0xFFFFFFB0  }
0x58: {  	[tilespmem:s19], [sflag:$0x2] =	stream.linear.gather [hbm4b:s25+s4], $0x50, $0x38;
	[tilespmem:$0x19100] =	vst v63  }
0x59: {  	_ =	swait.ge [sflag:s18], $0x50  }
0x5a: {  	[sflag:s18] =	ssyncset.done $0x0  }
0x5b: {  	[sflag:s18] =	ssyncadd.s32 $0xFFFFFFB0  }
0x5c: {  	[tilespmem:s21], [sflag:$0x1] =	stream.indirect.gather [hbm4b:s1+s20], $0x80, s4, s20, $0xb8;
	[tilespmem:$0x19100] =	vst v63  }
0x5d: {  	_ =	swait.ge [sflag:s22], $0x2800  }
.Ltmp1:
0x5e: {  	[sflag:s22] =	ssyncset.done $0x0;
	(pc) =	sbr.rel @p0 .LBB2_4-.Ltmp1, $4  }
0x5f: {  	[sflag:s22] =	ssyncadd.s32 $0xFFFFD800  }
0x60: {  	[spmem:s3] =	stream.indirect.scatter.add.f32 [tilespmem:s21], [sflag:$0x2], $0x80, s19, s20, $0xb8;
	[tilespmem:$0x19100] =	vst v63  }
0x61: {  	_ =	swait.ge [sflag:s18], $0x2800  }
0x62: {  	s25 =	smov.u32 s29;
	[sflag:s18] =	ssyncset.done $0x0  }
0x63: {  	s25 =	sadd.s32 s24, s16;
	[sflag:s18] =	ssyncadd.s32 $0xFFFFD800  }
0x64: {  	[tilespmem:s4], [sflag:$0x2] =	stream.linear.gather [hbm4b:s25+s4], $0x50, $0x38;
	[tilespmem:$0x19100] =	vst v63  }
0x65: {  	_ =	swait.ge [sflag:s18], $0x50  }
0x66: {  	[sflag:s18] =	ssyncset.done $0x0  }
0x67: {  	s29 =	sadd.s32 s24, s15;
	[sflag:s18] =	ssyncadd.s32 $0xFFFFFFB0  }
0x68: {  	[tilespmem:s19], [sflag:$0x2] =	stream.linear.gather [hbm4b:s29+s4], $0x50, $0x38;
	[tilespmem:$0x19100] =	vst v63  }
0x69: {  	_ =	swait.ge [sflag:s18], $0x50  }
0x6a: {  	[sflag:s18] =	ssyncset.done $0x0  }
0x6b: {  	[sflag:s18] =	ssyncadd.s32 $0xFFFFFFB0  }
0x6c: {  	[tilespmem:s21], [sflag:$0x1] =	stream.indirect.gather [hbm4b:s1+s20], $0x80, s4, s20, $0xb8;
	[tilespmem:$0x19100] =	vst v63  }
0x6d: {  	_ =	swait.ge [sflag:s22], $0x2800  }
0x6e: {  	[sflag:s22] =	ssyncset.done $0x0  }
0x6f: {  	[sflag:s22] =	ssyncadd.s32 $0xFFFFD800  }
0x70: {  	[spmem:s3] =	stream.indirect.scatter.add.f32 [tilespmem:s21], [sflag:$0x2], $0x80, s19, s20, $0xb8;
	[tilespmem:$0x19100] =	vst v63  }
0x71: {  	_ =	swait.ge [sflag:s18], $0x2800  }
0x72: {  	s30 =	sshll.u32 s0, $0x6;
	s23 =	sadd.s32 $0x1, s23;
	[sflag:s18] =	ssyncset.done $0x0  }
0x73: {  	s31 =	sshrl.u32 s5, $0x3;
	p0 =	sne.s32 s23, s14;
	[sflag:s18] =	ssyncadd.s32 $0xFFFFD800  }
.Ltmp2:
0x74: {  	s24 =	sor.u32 $0x1C02, s30;
	[bflag:$0x0] =	sbarrier.arrive $0xFFFF;
	(pc) =	sbr.rel @p0 .LBB2_1-.Ltmp2, $4  }
0x75: {  	[hbm:s13], [sflag:s24] =	dma.local [spmem:s31], $0x2800  }
0x76: {  	_ =	swait.ge [sflag:s18], $0x2800  }
0x77: {  	[sflag:s18] =	ssyncset.done $0x0  }
0x78: {  	[sflag:s18] =	ssyncadd.s32 $0xFFFFD800  }
0x79: {  	_ =	sfence.sel $0x180000  }
0x7a: {  	[bflag:$0x0] =	sbarrier.arrive $0xFFFF  }
0x7b: {  	p0 =	sne.s32 s0, $0x0;
	_ =	strace $0x9000004A  }
0x7c: {  	s0 =	sadd.s32 @!p0 $0x100000, s2;
	[bflag:$0x2] =	sbarrier.arrive $0xFFFF  }
0x7d: {  	[sflag:s0] =	ssyncadd.tile.s32 @!p0 $0x1;
	_ =	shalt  }
.Lfunc_end2:
_tile_overlayer_lowered:
.L_overlay_start_2:
0x7e: {  	(tag) =	ssettag $0x2  }
0x7f: {  	s0 =	rddreg [dreg:$0x0];
	s2 =	stileid.u32  }
0x80: {  	s1 =	rddreg [dreg:$0x1];
	p0 =	sne.s32 s2, $0x0  }
0x81: {  	s3 =	rddreg [dreg:$0x2];
	[bflag:$0x3] =	sbarrier.arrive $0xFFFF;
	s2 =	simm.s32 @!p0 $0x1C02  }
0x82: {  	[timem:s3], [sflag:s2] =	dma.local @!p0 [hbm:s0], s1  }
0x83: {  	s0 =	simm.s32 @!p0 $0x2  }
0x84: {  	_ =	swait.ge @!p0 [sflag:s0], s1  }
0x85: {  	s1 =	ssub.s32 @!p0 $0x0, s1;
	[sflag:s0] =	ssyncset.done @!p0 $0x0  }
0x86: {  	[sflag:s0] =	ssyncadd.s32 @!p0 s1  }
0x87: {  	[bflag:$0x3] =	sbarrier.arrive $0xFFFF  }
0x88: {  	_ =	shalt  }

// kernel: kernel.15.cloned.1.call-start
scs
__scs_entry_jumppad:
0x0: {  	(pc) =	sbr.rel $0x88, $3  }
0x1: {  	(tag) =	ssettag $0x0;
	lr =	simm.s32 $0x1  }
0x2: {  	[smem:$0x3F99] =	sst lr;
	_ =	strace $0xD0000000  }
0x3: {  	_ = 	snop  }
0x4: {  	_ = 	snop  }
0x5: {  	_ = 	snop  }
0x6: {  	_ = 	snop  }
0x7: {  	_ = 	snop  }
__scs_overlays_trampoline_lowered:
0x8: {  	[smem:$0x3FA8] =	sst s0  }
0x9: {  	[smem:$0x3FA9] =	sst s1  }
0xa: {  	[smem:$0x3FAA] =	sst s2  }
0xb: {  	[smem:$0x3FAB] =	sst s3  }
0xc: {  	[smem:$0x3FAC] =	sst s4  }
0xd: {  	[smem:$0x3FAD] =	sst s5  }
0xe: {  	[smem:$0x3FAE] =	sst s6  }
0xf: {  	[smem:$0x3FAF] =	sst s7  }
0x10: {  	[smem:$0x3FB0] =	sst s8  }
0x11: {  	[smem:$0x3FB1] =	sst s9;
	s0 =	simm.s32 @!p0 $0x0  }
0x12: {  	s1 =	sld [smem:$0x3F97];
	s0 =	simm.s32 @p0 $0x1  }
0x13: {  	[smem:$0x3FB2] =	sst s0;
	s0 =	simm.s32 @!p1 $0x0  }
0x14: {  	s2 =	sld [smem:$0x3F96];
	s0 =	simm.s32 @p1 $0x1  }
0x15: {  	[smem:$0x3FB3] =	sst s0;
	s0 =	simm.s32 @!p2 $0x0  }
0x16: {  	s3 =	sld [smem:$0x3FDB];
	s0 =	simm.s32 @p2 $0x1  }
0x17: {  	s4 =	simm.s32 $0x1BF5;
	[smem:$0x3FB5] =	sst s0  }
0x18: {  	s0 =	sld [smem:$0x3F98];
	_ =	swait.ge [sflag:s4], $0x0  }
0x19: {  	s7 =	sld [smem:$0x3F99]  }
0x1a: {  	s8 =	sadd.s32 $0xFFFFE003, lr  }
0x1b: {  	s9 =	sadd.s32 $0xFFFFFEF7, lr;
	s5 =	simm.s32 $0xFFFFFFFF;
	p2 =	slt.u32 s8, $0xFFFFF086  }
0x1c: {  	p1 =	slt.u32 s9, $0xF7A;
	s5 =	simm.s32 @!p2 $0x0  }
0x1d: {  	s5 =	simm.s32 @p1 $0x1;
	p0 =	seq.s32 s7, s2  }
0x1e: {  	s7 =	smul.u32 @!p0 $0xF7A, s2;
	p2 =	seq.s32 @!p0 s5, $0x0  }
0x1f: {  	s9 =	smul.u32 $0xF7A, s1;
	s8 =	simm.s32 @!p0 $0x1BF5;
	p2 =	por !p2, p0  }
0x20: {  	[sflag:s8] =	ssyncset.s32 @!p0 $0xFFFFF086;
	s6 =	sadd.s32 @!p0 s3, s7;
	s7 =	simm.s32 @!p0 $0x108  }
0x21: {  	s3 =	sadd.s32 s3, s9;
	s6 =	sadd.s32 @!p0 $0x88, s6;
	s7 =	simm.s32 @p2 $0x1082  }
0x22: {  	[simem:s7], [sflag:s8] =	dma.local @!p0 [hbm:s6], $0xF7A  }
0x23: {  	s9 =	sor.u32 $0xD0000000, s2;
	s6 =	simm.s32 $0x108;
	_ =	swait.ge @!p0 [sflag:s8], $0x0  }
0x24: {  	s3 =	sadd.s32 $0x88, s3;
	s6 =	simm.s32 @!p1 $0x1082;
	[sflag:s4] =	ssyncset.s32 $0xFFFFF086  }
0x25: {  	[simem:s6], [sflag:s4] =	dma.local [hbm:s3], $0xF7A  }
0x26: {  	[smem:$0x3F99] =	sst s1;
	(tag) =	ssettag s2;
	_ =	strace s9  }
0x27: {  	s1 =	sld [smem:$0x3FA9]  }
0x28: {  	s2 =	sld [smem:$0x3FAA]  }
0x29: {  	s4 =	sld [smem:$0x3FAC]  }
0x2a: {  	p0 =	seq.s32 s5, $0x0;
	s5 =	sld [smem:$0x3FAD]  }
0x2b: {  	s6 =	sld [smem:$0x3FAE]  }
0x2c: {  	s7 =	sld [smem:$0x3FAF]  }
0x2d: {  	s3 =	simm.s32 $0x108;
	s8 =	sld [smem:$0x3FB0]  }
0x2e: {  	s3 =	simm.s32 @!p0 $0x1082;
	s9 =	sld [smem:$0x3FB1]  }
0x2f: {  	lr =	sadd.s32 s0, s3;
	s0 =	sld [smem:$0x3FA8]  }
0x30: {  	s3 =	sld [smem:$0x3FAB]  }
0x31: {  	[smem:$0x3FB4] =	sst s10  }
0x32: {  	s10 =	sld [smem:$0x3FB2];
	_ =	sdelay $0x3  }
0x33: {  	p0 =	seq.s32 s10, $0x1;
	s10 =	sld [smem:$0x3FB4];
	_ =	sdelay $0x3  }
0x34: {  	[smem:$0x3FB4] =	sst s10  }
0x35: {  	s10 =	sld [smem:$0x3FB3];
	_ =	sdelay $0x3  }
0x36: {  	p1 =	seq.s32 s10, $0x1;
	s10 =	sld [smem:$0x3FB4];
	_ =	sdelay $0x3  }
0x37: {  	[smem:$0x3FB4] =	sst s10  }
0x38: {  	s10 =	sld [smem:$0x3FB5]  }
0x39: {  	_ = 	snop;
	(pc) =	sbr.ind lr, $3  }
0x3a: {  	_ = 	snop  }
0x3b: {  	_ = 	snop  }
0x3c: {  	p2 =	seq.s32 s10, $0x1;
	s10 =	sld [smem:$0x3FB4]  }
0x3d: {  	_ =	shalt  }
0x3e: {  	_ =	shalt  }
0x3f: {  	_ =	shalt  }
0x40: {  	_ =	shalt  }
0x41: {  	_ =	shalt  }
0x42: {  	_ =	shalt  }
0x43: {  	_ =	shalt  }
0x44: {  	_ =	shalt  }
0x45: {  	_ =	shalt  }
0x46: {  	_ =	shalt  }
0x47: {  	_ =	shalt  }
0x48: {  	_ =	shalt  }
0x49: {  	_ =	shalt  }
0x4a: {  	_ =	shalt  }
0x4b: {  	_ =	shalt  }
0x4c: {  	_ =	shalt  }
0x4d: {  	_ =	shalt  }
0x4e: {  	_ =	shalt  }
0x4f: {  	_ =	shalt  }
0x50: {  	_ =	shalt  }
0x51: {  	_ =	shalt  }
0x52: {  	_ =	shalt  }
0x53: {  	_ =	shalt  }
0x54: {  	_ =	shalt  }
0x55: {  	_ =	shalt  }
0x56: {  	_ =	shalt  }
0x57: {  	_ =	shalt  }
0x58: {  	_ =	shalt  }
0x59: {  	_ =	shalt  }
0x5a: {  	_ =	shalt  }
0x5b: {  	_ =	shalt  }
0x5c: {  	_ =	shalt  }
0x5d: {  	_ =	shalt  }
0x5e: {  	_ =	shalt  }
0x5f: {  	_ =	shalt  }
0x60: {  	_ =	shalt  }
0x61: {  	_ =	shalt  }
0x62: {  	_ =	shalt  }
0x63: {  	_ =	shalt  }
0x64: {  	_ =	shalt  }
0x65: {  	_ =	shalt  }
0x66: {  	_ =	shalt  }
0x67: {  	_ =	shalt  }
0x68: {  	_ =	shalt  }
0x69: {  	_ =	shalt  }
0x6a: {  	_ =	shalt  }
0x6b: {  	_ =	shalt  }
0x6c: {  	_ =	shalt  }
0x6d: {  	_ =	shalt  }
0x6e: {  	_ =	shalt  }
0x6f: {  	_ =	shalt  }
0x70: {  	_ =	shalt  }
0x71: {  	_ =	shalt  }
0x72: {  	_ =	shalt  }
0x73: {  	_ =	shalt  }
0x74: {  	_ =	shalt  }
0x75: {  	_ =	shalt  }
0x76: {  	_ =	shalt  }
0x77: {  	_ =	shalt  }
0x78: {  	_ =	shalt  }
0x79: {  	_ =	shalt  }
0x7a: {  	_ =	shalt  }
0x7b: {  	_ =	shalt  }
0x7c: {  	_ =	shalt  }
0x7d: {  	_ =	shalt  }
0x7e: {  	_ =	shalt  }
0x7f: {  	_ =	shalt  }
0x80: {  	_ =	shalt  }
0x81: {  	_ =	shalt  }
0x82: {  	_ =	shalt  }
0x83: {  	_ =	shalt  }
0x84: {  	_ =	shalt  }
0x85: {  	_ =	shalt  }
0x86: {  	_ =	shalt  }
0x87: {  	_ =	shalt  }
.Lfunc_end0:
.L_simem_size_0:
called_computation.2_lowered:
.L_overlay_start_0:
0x88: {  	s2 =	sld [smem:$0x3FD9]  }
0x89: {  	s3 =	sld [smem:$0x3FFE];
	_ =	sdelay $0x1  }
0x8a: {  	s1 =	srdreg.scid  }
0x8b: {  	s0 =	sand.u32 $0x1, s1  }
0x8c: {  	s17 =	sshll.u32 s0, $0xA;
	s2 =	sadd.s32 s3, s2  }
0x8d: {  	s2 =	sadd.s32 s2, s17  }
0x8e: {  	[smem:$0x3FC0] =	sst s2  }
0x8f: {  	_ = 	snop  }
0x90: {  	s2 =	sld [smem:$0x3FD0];
	(tm) =	ssettm $0x1  }
0x91: {  	s18 =	sld [smem:$0x3FFB];
	_ =	sdelay $0x3  }
0x92: {  	_ =	strace s18  }
0x93: {  	s3 =	sld [smem:$0x3FFC];
	_ =	sdelay $0x3  }
0x94: {  	_ =	strace s3  }
0x95: {  	s3 =	sld [smem:$0x3FFD];
	_ =	sdelay $0x3  }
0x96: {  	_ =	strace s3  }
0x97: {  	_ =	strace $0x8FFFFFFF  }
0x98: {  	s19 =	sld [smem:$0x3FDB];
	_ =	sdelay $0x1  }
0x99: {  	s4 =	simm.s32 $_scs_section_size  }
0x9a: {  	s5 =	simm.s32 $_size__tile_overlayer_lowered;
	s6 =	simm.s32 $_tile_overlayer_lowered  }
0x9b: {  	s22 =	simm.s32 $0x1BFF;
	s21 =	sshll.u32 s6, $0x1;
	s3 =	sadd.s32 s4, s19  }
0x9c: {  	s7 =	simm.s32 $0x0;
	s20 =	sshll.u32 s5, $0x1;
	s5 =	sadd.s32 s21, s3  }
0x9d: {  	[timem:s7], [sflag:s22] =	dma.local [hbm:s5], s20  }
0x9e: {  	_ =	swait.ge [sflag:s22], s20  }
0x9f: {  	s4 =	ssub.s32 $0x0, s20;
	[sflag:s22] =	ssyncset.done $0x0  }
0xa0: {  	[sflag:s22] =	ssyncadd.s32 s4;
	_ =	sdelay $0x1  }
0xa1: {  	s23 =	simm.s32 $0x1B8B  }
0xa2: {  	_ =	swait.ge [sflag:s23], $0x1  }
0xa3: {  	[sflag:s23] =	ssyncset.done $0x0  }
0xa4: {  	s25 =	simm.s32 $0x1B8E;
	s24 =	sld [smem:$0x3FFE];
	[sflag:s23] =	ssyncadd.s32 $0xFFFFFFFF  }
0xa5: {  	s26 =	simm.s32 $execute0_lowered;
	[smem:$0x3FD2] =	sst s25  }
0xa6: {  	s5 =	sshll.u32 s26, $0x1;
	_ =	strace $0x8000004C;
	[dreg:$0x1] =	wrdreg $0xFFFFFFFF  }
0xa7: {  	s28 =	simm.s32 $_size_execute0_lowered;
	s3 =	sadd.s32 s3, s5;
	[dreg:$0x0] =	wrdreg $0x0  }
0xa8: {  	s5 =	sshll.u32 s28, $0x1;
	[dreg:$0x2] =	wrdreg s3  }
0xa9: {  	[dreg:$0x3] =	wrdreg s5  }
0xaa: {  	[dreg:$0x4] =	wrdreg $0xC0  }
0xab: {  	_ =	task [dreg:s7], $0x5FFFF  }
0xac: {  	[dreg:$0x1] =	wrdreg $0xFFFFFFFF  }
0xad: {  	[dreg:$0x0] =	wrdreg $0x60  }
0xae: {  	[dreg:$0x2] =	wrdreg s2  }
0xaf: {  	[dreg:$0x3] =	wrdreg s24  }
0xb0: {  	[dreg:$0x4] =	wrdreg $0x51000  }
0xb1: {  	[dreg:$0x5] =	wrdreg $0x9  }
0xb2: {  	_ =	task.clear_ibuf [dreg:s7], $0x6FFFF;
	_ =	strace $0x9000004C  }
0xb3: {  	s29 =	simm.s32 $0x9;
	_ =	strace $0x8000004E  }
0xb4: {  	_ =	swait.ge [sflag:s29], $0x1  }
0xb5: {  	[sflag:s29] =	ssyncadd.s32 $0xFFFFFFFF  }
0xb6: {  	_ =	strace $0x9000004E  }
0xb7: {  	_ =	sfence  }
0xb8: {  	s30 =	sld [smem:$0x0];
	_ =	sdelay $0x2  }
0xb9: {  	s31 =	sshll.u32 s1, $0xD;
	s1 =	sshrl.u32 s1, $0x2  }
0xba: {  	s3 =	sand.u32 $0x4000, s31;
	s1 =	sadd.s32 s1, s30  }
0xbb: {  	s0 =	sor.u32 s3, s0;
	s1 =	sshll.u32 s1, $0x11  }
0xbc: {  	s0 =	sor.u32 s1, s0  }
0xbd: {  	s0 =	sadd.s32 $0x8F2B, s0  }
0xbe: {  	[sflag:s0] =	ssyncadd.remote.s32 $0x1  }
0xbf: {  	_ =	sfence.sel $0xFFFF  }
0xc0: {  	[dreg:$0x0] =	wrdreg $0xFFFFFFFF;
	(pc) =	sbr.abs _section_cstart, $3  }
0xc1: {  	[dreg:$0x1] =	wrdreg $0xFFFFFFFF  }
0xc2: {  	_ =	task.clear_ibuf [dreg:s7], $0x2FFFF;
	_ =	strace $0x9FFFFFFF  }
0xc3: {  	(tm) =	ssettm $0x7FFFFFFF  }
tec
execute0_lowered:
.L_overlay_start_1:
0x0: {  	(tag) =	ssettag $0x1  }
0x1: {  	s1 =	rddreg [dreg:$0x0]  }
0x2: {  	s2 =	srdreg.scid;
	s5 =	rddreg [dreg:$0x1]  }
0x3: {  	s0 =	stileid.u32;
	s3 =	rddreg [dreg:$0x2]  }
0x4: {  	s4 =	simm.s32 $0x0;
	s17 =	simm.s32 $0x2900;
	s18 =	simm.s32 $0x2  }
0x5: {  	s19 =	simm.s32 $0x80;
	s20 =	simm.s32 $0x50;
	s7 =	smul.u32 $0x4E20, s0  }
0x6: {  	s21 =	simm.s32 $0x100;
	s22 =	simm.s32 $0x1;
	s28 =	smul.u32 $0x14000, s0  }
0x7: {  	s6 =	sand.u32 $0x1, s2;
	s2 =	rddreg [dreg:$0x3];
	s10 =	smul.u32 $0x50000, s0  }
0x8: {  	s23 =	simm.s32 $0x0;
	[smem:$0x7FF] =	sst s4;
	s8 =	smul.u32 $0x2710, s6  }
0x9: {  	s9 =	smul.u32 $0x140000, s6;
	_ =	strace $0x8000004D;
	s6 =	ssub.s32 $0x2, s6  }
0xa: {  	s30 =	sshrl.u32 s6, $0x1;
	s31 =	sshrl.u32 s10, $0x2;
	s7 =	sadd.s32 s8, s7  }
0xb: {  	s29 =	sadd.s32 s28, s9;
	s14 =	ssub.s32 s6, s30;
	s7 =	sshrl.u32 s7, $0x3  }
0xc: {  	s14 =	smax.u32 s14, $0x1;
	s16 =	sadd.s32 s7, s5;
	s7 =	sshrl.u32 s29, $0x3  }
0xd: {  	s13 =	sadd.s32 s7, s5;
	s5 =	sadd.s32 s31, s3;
	s15 =	sadd.s32 $0xCE00, s16  }
0xe: {  	s16 =	sadd.s32 $0x3000, s16;
	s6 =	sadd.s32 $0x2800, s5;
	s7 =	sadd.s32 $0x5000, s5  }
0xf: {  	s8 =	sadd.s32 $0x7800, s5;
	s9 =	sadd.s32 $0xA000, s5;
	s10 =	sadd.s32 $0xC800, s5  }
0x10: {  	v0 =	vimm.f32 $0.0e+00;
	s11 =	sadd.s32 $0xF000, s5;
	s12 =	sadd.s32 $0x11800, s5;
	s13 =	sadd.s32 $0x3DE00, s13  }
.LBB2_1:
0x11: {  	s24 =	simm.s32 $0x0;
	s25 =	simm.s32 $0x200  }
.LBB2_2:
0x12: {  	p0 =	sne.s32 s25, $0x9E00;
	[tilespmem:s24+$0x2970] =	vst v0  }
0x13: {  	[tilespmem:s24+$0x2900] =	vst v0  }
0x14: {  	[tilespmem:s24+$0x2910] =	vst v0  }
.Ltmp0:
0x15: {  	[tilespmem:s24+$0x2920] =	vst v0;
	(pc) =	sbr.rel @p0 .LBB2_2-.Ltmp0, $4  }
0x16: {  	[tilespmem:s24+$0x2930] =	vst v0  }
0x17: {  	[tilespmem:s24+$0x2940] =	vst v0  }
0x18: {  	[tilespmem:s24+$0x2950] =	vst v0  }
0x19: {  	[tilespmem:s24+$0x2960] =	vst v0;
	s24 =	sshra.s32 s25, $0x2;
	s25 =	sadd.s32 $0x200, s25  }
0x1a: {  	[tilespmem:s24+$0x2970] =	vst v0  }
0x1b: {  	[tilespmem:s24+$0x2900] =	vst v0  }
0x1c: {  	[tilespmem:s24+$0x2910] =	vst v0  }
0x1d: {  	[tilespmem:s24+$0x2920] =	vst v0  }
0x1e: {  	[tilespmem:s24+$0x2930] =	vst v0  }
0x1f: {  	[tilespmem:s24+$0x2940] =	vst v0  }
0x20: {  	[tilespmem:s24+$0x2950] =	vst v0  }
0x21: {  	[tilespmem:s24+$0x2960] =	vst v0  }
0x22: {  	[spmem:s5] =	stream.linear.scatter [tilespmem:s17], [sflag:$0x2], $0x2800, $0x38;
	[tilespmem:$0x19100] =	vst v63  }
0x23: {  	_ =	swait.ge [sflag:s18], $0x2800  }
0x24: {  	[sflag:s18] =	ssyncset.done $0x0  }
0x25: {  	[sflag:s18] =	ssyncadd.s32 $0xFFFFD800  }
0x26: {  	[spmem:s6] =	stream.linear.scatter [tilespmem:s17], [sflag:$0x2], $0x2800, $0x38;
	[tilespmem:$0x19100] =	vst v63  }
0x27: {  	_ =	swait.ge [sflag:s18], $0x2800  }
0x28: {  	[sflag:s18] =	ssyncset.done $0x0  }
0x29: {  	[sflag:s18] =	ssyncadd.s32 $0xFFFFD800  }
0x2a: {  	[spmem:s7] =	stream.linear.scatter [tilespmem:s17], [sflag:$0x2], $0x2800, $0x38;
	[tilespmem:$0x19100] =	vst v63  }
0x2b: {  	_ =	swait.ge [sflag:s18], $0x2800  }
0x2c: {  	[sflag:s18] =	ssyncset.done $0x0  }
0x2d: {  	[sflag:s18] =	ssyncadd.s32 $0xFFFFD800  }
0x2e: {  	[spmem:s8] =	stream.linear.scatter [tilespmem:s17], [sflag:$0x2], $0x2800, $0x38;
	[tilespmem:$0x19100] =	vst v63  }
0x2f: {  	_ =	swait.ge [sflag:s18], $0x2800  }
0x30: {  	[sflag:s18] =	ssyncset.done $0x0  }
0x31: {  	[sflag:s18] =	ssyncadd.s32 $0xFFFFD800  }
0x32: {  	[spmem:s9] =	stream.linear.scatter [tilespmem:s17], [sflag:$0x2], $0x2800, $0x38;
	[tilespmem:$0x19100] =	vst v63  }
0x33: {  	_ =	swait.ge [sflag:s18], $0x2800  }
0x34: {  	[sflag:s18] =	ssyncset.done $0x0  }
0x35: {  	[sflag:s18] =	ssyncadd.s32 $0xFFFFD800  }
0x36: {  	[spmem:s10] =	stream.linear.scatter [tilespmem:s17], [sflag:$0x2], $0x2800, $0x38;
	[tilespmem:$0x19100] =	vst v63  }
0x37: {  	_ =	swait.ge [sflag:s18], $0x2800  }
0x38: {  	[sflag:s18] =	ssyncset.done $0x0  }
0x39: {  	[sflag:s18] =	ssyncadd.s32 $0xFFFFD800  }
0x3a: {  	[spmem:s11] =	stream.linear.scatter [tilespmem:s17], [sflag:$0x2], $0x2800, $0x38;
	[tilespmem:$0x19100] =	vst v63  }
0x3b: {  	_ =	swait.ge [sflag:s18], $0x2800  }
0x3c: {  	[sflag:s18] =	ssyncset.done $0x0  }
0x3d: {  	[sflag:s18] =	ssyncadd.s32 $0xFFFFD800  }
0x3e: {  	[spmem:s12] =	stream.linear.scatter [tilespmem:s17], [sflag:$0x2], $0x2800, $0x38;
	[tilespmem:$0x19100] =	vst v63  }
0x3f: {  	_ =	swait.ge [sflag:s18], $0x2800  }
0x40: {  	[sflag:s18] =	ssyncset.done $0x0  }
0x41: {  	[sflag:s18] =	ssyncadd.s32 $0xFFFFD800  }
0x42: {  	s30 =	sadd.s32 $0x0, s16;
	[bflag:$0x0] =	sbarrier.arrive $0xFFFF  }
0x43: {  	[tilespmem:s4], [sflag:$0x2] =	stream.linear.gather [hbm4b:s30+s4], $0x50, $0x38;
	[tilespmem:$0x19100] =	vst v63  }
0x44: {  	_ =	swait.ge [sflag:s18], $0x50  }
0x45: {  	[sflag:s18] =	ssyncset.done $0x0  }
0x46: {  	s31 =	sadd.s32 $0x0, s15;
	[sflag:s18] =	ssyncadd.s32 $0xFFFFFFB0  }
0x47: {  	[tilespmem:s19], [sflag:$0x2] =	stream.linear.gather [hbm4b:s31+s4], $0x50, $0x38;
	[tilespmem:$0x19100] =	vst v63  }
0x48: {  	_ =	swait.ge [sflag:s18], $0x50  }
0x49: {  	[sflag:s18] =	ssyncset.done $0x0  }
0x4a: {  	[sflag:s18] =	ssyncadd.s32 $0xFFFFFFB0  }
0x4b: {  	[tilespmem:s21], [sflag:$0x1] =	stream.indirect.gather [hbm4b:s1+s20], $0x80, s4, s20, $0xb8;
	[tilespmem:$0x19100] =	vst v63  }
0x4c: {  	_ =	swait.ge [sflag:s22], $0x2800  }
0x4d: {  	[sflag:s22] =	ssyncset.done $0x0  }
0x4e: {  	[sflag:s22] =	ssyncadd.s32 $0xFFFFD800  }
0x4f: {  	[spmem:s3] =	stream.indirect.scatter.add.f32 [tilespmem:s21], [sflag:$0x2], $0x80, s19, s20, $0xb8;
	[tilespmem:$0x19100] =	vst v63  }
0x50: {  	_ =	swait.ge [sflag:s18], $0x2800  }
0x51: {  	s24 =	simm.s32 $0xA;
	s25 =	simm.s32 $0x14;
	[sflag:s18] =	ssyncset.done $0x0  }
.LBB2_4:
0x52: {  	s26 =	sadd.s32 s24, s16  }
0x53: {  	[sflag:s18] =	ssyncadd.s32 $0xFFFFD800;
	s28 =	smov.u32 s25;
	s29 =	sadd.s32 $0xA, s25  }
0x54: {  	[tilespmem:s4], [sflag:$0x2] =	stream.linear.gather [hbm4b:s26+s4], $0x50, $0x38;
	[tilespmem:$0x19100] =	vst v63  }
0x55: {  	p0 =	sne.s32 s25, $0x4D8;
	_ =	swait.ge [sflag:s18], $0x50  }
0x56: {  	[sflag:s18] =	ssyncset.done $0x0  }
0x57: {  	s25 =	sadd.s32 s24, s15;
	s24 =	smov.u32 s28;
	[sflag:s18] =	ssyncadd.s32 $0xFFFFFFB0  }
0x58: {  	[tilespmem:s19], [sflag:$0x2] =	stream.linear.gather [hbm4b:s25+s4], $0x50, $0x38;
	[tilespmem:$0x19100] =	vst v63  }
0x59: {  	_ =	swait.ge [sflag:s18], $0x50  }
0x5a: {  	[sflag:s18] =	ssyncset.done $0x0  }
0x5b: {  	[sflag:s18] =	ssyncadd.s32 $0xFFFFFFB0  }
0x5c: {  	[tilespmem:s21], [sflag:$0x1] =	stream.indirect.gather [hbm4b:s1+s20], $0x80, s4, s20, $0xb8;
	[tilespmem:$0x19100] =	vst v63  }
0x5d: {  	_ =	swait.ge [sflag:s22], $0x2800  }
.Ltmp1:
0x5e: {  	[sflag:s22] =	ssyncset.done $0x0;
	(pc) =	sbr.rel @p0 .LBB2_4-.Ltmp1, $4  }
0x5f: {  	[sflag:s22] =	ssyncadd.s32 $0xFFFFD800  }
0x60: {  	[spmem:s3] =	stream.indirect.scatter.add.f32 [tilespmem:s21], [sflag:$0x2], $0x80, s19, s20, $0xb8;
	[tilespmem:$0x19100] =	vst v63  }
0x61: {  	_ =	swait.ge [sflag:s18], $0x2800  }
0x62: {  	s25 =	smov.u32 s29;
	[sflag:s18] =	ssyncset.done $0x0  }
0x63: {  	s25 =	sadd.s32 s24, s16;
	[sflag:s18] =	ssyncadd.s32 $0xFFFFD800  }
0x64: {  	[tilespmem:s4], [sflag:$0x2] =	stream.linear.gather [hbm4b:s25+s4], $0x50, $0x38;
	[tilespmem:$0x19100] =	vst v63  }
0x65: {  	_ =	swait.ge [sflag:s18], $0x50  }
0x66: {  	[sflag:s18] =	ssyncset.done $0x0  }
0x67: {  	s29 =	sadd.s32 s24, s15;
	[sflag:s18] =	ssyncadd.s32 $0xFFFFFFB0  }
0x68: {  	[tilespmem:s19], [sflag:$0x2] =	stream.linear.gather [hbm4b:s29+s4], $0x50, $0x38;
	[tilespmem:$0x19100] =	vst v63  }
0x69: {  	_ =	swait.ge [sflag:s18], $0x50  }
0x6a: {  	[sflag:s18] =	ssyncset.done $0x0  }
0x6b: {  	[sflag:s18] =	ssyncadd.s32 $0xFFFFFFB0  }
0x6c: {  	[tilespmem:s21], [sflag:$0x1] =	stream.indirect.gather [hbm4b:s1+s20], $0x80, s4, s20, $0xb8;
	[tilespmem:$0x19100] =	vst v63  }
0x6d: {  	_ =	swait.ge [sflag:s22], $0x2800  }
0x6e: {  	[sflag:s22] =	ssyncset.done $0x0  }
0x6f: {  	[sflag:s22] =	ssyncadd.s32 $0xFFFFD800  }
0x70: {  	[spmem:s3] =	stream.indirect.scatter.add.f32 [tilespmem:s21], [sflag:$0x2], $0x80, s19, s20, $0xb8;
	[tilespmem:$0x19100] =	vst v63  }
0x71: {  	_ =	swait.ge [sflag:s18], $0x2800  }
0x72: {  	s30 =	sshll.u32 s0, $0x6;
	s23 =	sadd.s32 $0x1, s23;
	[sflag:s18] =	ssyncset.done $0x0  }
0x73: {  	s31 =	sshrl.u32 s5, $0x3;
	p0 =	sne.s32 s23, s14;
	[sflag:s18] =	ssyncadd.s32 $0xFFFFD800  }
.Ltmp2:
0x74: {  	s24 =	sor.u32 $0x1C02, s30;
	[bflag:$0x0] =	sbarrier.arrive $0xFFFF;
	(pc) =	sbr.rel @p0 .LBB2_1-.Ltmp2, $4  }
0x75: {  	[hbm:s13], [sflag:s24] =	dma.local [spmem:s31], $0x2800  }
0x76: {  	_ =	swait.ge [sflag:s18], $0x2800  }
0x77: {  	[sflag:s18] =	ssyncset.done $0x0  }
0x78: {  	[sflag:s18] =	ssyncadd.s32 $0xFFFFD800  }
0x79: {  	_ =	sfence.sel $0x180000  }
0x7a: {  	[bflag:$0x0] =	sbarrier.arrive $0xFFFF  }
0x7b: {  	p0 =	sne.s32 s0, $0x0;
	_ =	strace $0x9000004D  }
0x7c: {  	s0 =	sadd.s32 @!p0 $0x100000, s2;
	[bflag:$0x2] =	sbarrier.arrive $0xFFFF  }
0x7d: {  	[sflag:s0] =	ssyncadd.tile.s32 @!p0 $0x1;
	_ =	shalt  }
.Lfunc_end2:
_tile_overlayer_lowered:
.L_overlay_start_2:
0x7e: {  	(tag) =	ssettag $0x2  }
0x7f: {  	s0 =	rddreg [dreg:$0x0];
	s2 =	stileid.u32  }
0x80: {  	s1 =	rddreg [dreg:$0x1];
	p0 =	sne.s32 s2, $0x0  }
0x81: {  	s3 =	rddreg [dreg:$0x2];
	[bflag:$0x3] =	sbarrier.arrive $0xFFFF;
	s2 =	simm.s32 @!p0 $0x1C02  }
0x82: {  	[timem:s3], [sflag:s2] =	dma.local @!p0 [hbm:s0], s1  }
0x83: {  	s0 =	simm.s32 @!p0 $0x2  }
0x84: {  	_ =	swait.ge @!p0 [sflag:s0], s1  }
0x85: {  	s1 =	ssub.s32 @!p0 $0x0, s1;
	[sflag:s0] =	ssyncset.done @!p0 $0x0  }
0x86: {  	[sflag:s0] =	ssyncadd.s32 @!p0 s1  }
0x87: {  	[bflag:$0x3] =	sbarrier.arrive $0xFFFF  }
0x88: {  	_ =	shalt  }

// kernel: kernel.9.cloned.1.call-start
scs
__scs_entry_jumppad:
0x0: {  	(pc) =	sbr.rel $0x88, $3  }
0x1: {  	(tag) =	ssettag $0x0;
	lr =	simm.s32 $0x1  }
0x2: {  	[smem:$0x3F99] =	sst lr;
	_ =	strace $0xD0000000  }
0x3: {  	_ = 	snop  }
0x4: {  	_ = 	snop  }
0x5: {  	_ = 	snop  }
0x6: {  	_ = 	snop  }
0x7: {  	_ = 	snop  }
__scs_overlays_trampoline_lowered:
0x8: {  	[smem:$0x3FA8] =	sst s0  }
0x9: {  	[smem:$0x3FA9] =	sst s1  }
0xa: {  	[smem:$0x3FAA] =	sst s2  }
0xb: {  	[smem:$0x3FAB] =	sst s3  }
0xc: {  	[smem:$0x3FAC] =	sst s4  }
0xd: {  	[smem:$0x3FAD] =	sst s5  }
0xe: {  	[smem:$0x3FAE] =	sst s6  }
0xf: {  	[smem:$0x3FAF] =	sst s7  }
0x10: {  	[smem:$0x3FB0] =	sst s8  }
0x11: {  	[smem:$0x3FB1] =	sst s9;
	s0 =	simm.s32 @!p0 $0x0  }
0x12: {  	s1 =	sld [smem:$0x3F97];
	s0 =	simm.s32 @p0 $0x1  }
0x13: {  	[smem:$0x3FB2] =	sst s0;
	s0 =	simm.s32 @!p1 $0x0  }
0x14: {  	s2 =	sld [smem:$0x3F96];
	s0 =	simm.s32 @p1 $0x1  }
0x15: {  	[smem:$0x3FB3] =	sst s0;
	s0 =	simm.s32 @!p2 $0x0  }
0x16: {  	s3 =	sld [smem:$0x3FDB];
	s0 =	simm.s32 @p2 $0x1  }
0x17: {  	s4 =	simm.s32 $0x1BF5;
	[smem:$0x3FB5] =	sst s0  }
0x18: {  	s0 =	sld [smem:$0x3F98];
	_ =	swait.ge [sflag:s4], $0x0  }
0x19: {  	s7 =	sld [smem:$0x3F99]  }
0x1a: {  	s8 =	sadd.s32 $0xFFFFE003, lr  }
0x1b: {  	s9 =	sadd.s32 $0xFFFFFEF7, lr;
	s5 =	simm.s32 $0xFFFFFFFF;
	p2 =	slt.u32 s8, $0xFFFFF086  }
0x1c: {  	p1 =	slt.u32 s9, $0xF7A;
	s5 =	simm.s32 @!p2 $0x0  }
0x1d: {  	s5 =	simm.s32 @p1 $0x1;
	p0 =	seq.s32 s7, s2  }
0x1e: {  	s7 =	smul.u32 @!p0 $0xF7A, s2;
	p2 =	seq.s32 @!p0 s5, $0x0  }
0x1f: {  	s9 =	smul.u32 $0xF7A, s1;
	s8 =	simm.s32 @!p0 $0x1BF5;
	p2 =	por !p2, p0  }
0x20: {  	[sflag:s8] =	ssyncset.s32 @!p0 $0xFFFFF086;
	s6 =	sadd.s32 @!p0 s3, s7;
	s7 =	simm.s32 @!p0 $0x108  }
0x21: {  	s3 =	sadd.s32 s3, s9;
	s6 =	sadd.s32 @!p0 $0x88, s6;
	s7 =	simm.s32 @p2 $0x1082  }
0x22: {  	[simem:s7], [sflag:s8] =	dma.local @!p0 [hbm:s6], $0xF7A  }
0x23: {  	s9 =	sor.u32 $0xD0000000, s2;
	s6 =	simm.s32 $0x108;
	_ =	swait.ge @!p0 [sflag:s8], $0x0  }
0x24: {  	s3 =	sadd.s32 $0x88, s3;
	s6 =	simm.s32 @!p1 $0x1082;
	[sflag:s4] =	ssyncset.s32 $0xFFFFF086  }
0x25: {  	[simem:s6], [sflag:s4] =	dma.local [hbm:s3], $0xF7A  }
0x26: {  	[smem:$0x3F99] =	sst s1;
	(tag) =	ssettag s2;
	_ =	strace s9  }
0x27: {  	s1 =	sld [smem:$0x3FA9]  }
0x28: {  	s2 =	sld [smem:$0x3FAA]  }
0x29: {  	s4 =	sld [smem:$0x3FAC]  }
0x2a: {  	p0 =	seq.s32 s5, $0x0;
	s5 =	sld [smem:$0x3FAD]  }
0x2b: {  	s6 =	sld [smem:$0x3FAE]  }
0x2c: {  	s7 =	sld [smem:$0x3FAF]  }
0x2d: {  	s3 =	simm.s32 $0x108;
	s8 =	sld [smem:$0x3FB0]  }
0x2e: {  	s3 =	simm.s32 @!p0 $0x1082;
	s9 =	sld [smem:$0x3FB1]  }
0x2f: {  	lr =	sadd.s32 s0, s3;
	s0 =	sld [smem:$0x3FA8]  }
0x30: {  	s3 =	sld [smem:$0x3FAB]  }
0x31: {  	[smem:$0x3FB4] =	sst s10  }
0x32: {  	s10 =	sld [smem:$0x3FB2];
	_ =	sdelay $0x3  }
0x33: {  	p0 =	seq.s32 s10, $0x1;
	s10 =	sld [smem:$0x3FB4];
	_ =	sdelay $0x3  }
0x34: {  	[smem:$0x3FB4] =	sst s10  }
0x35: {  	s10 =	sld [smem:$0x3FB3];
	_ =	sdelay $0x3  }
0x36: {  	p1 =	seq.s32 s10, $0x1;
	s10 =	sld [smem:$0x3FB4];
	_ =	sdelay $0x3  }
0x37: {  	[smem:$0x3FB4] =	sst s10  }
0x38: {  	s10 =	sld [smem:$0x3FB5]  }
0x39: {  	_ = 	snop;
	(pc) =	sbr.ind lr, $3  }
0x3a: {  	_ = 	snop  }
0x3b: {  	_ = 	snop  }
0x3c: {  	p2 =	seq.s32 s10, $0x1;
	s10 =	sld [smem:$0x3FB4]  }
0x3d: {  	_ =	shalt  }
0x3e: {  	_ =	shalt  }
0x3f: {  	_ =	shalt  }
0x40: {  	_ =	shalt  }
0x41: {  	_ =	shalt  }
0x42: {  	_ =	shalt  }
0x43: {  	_ =	shalt  }
0x44: {  	_ =	shalt  }
0x45: {  	_ =	shalt  }
0x46: {  	_ =	shalt  }
0x47: {  	_ =	shalt  }
0x48: {  	_ =	shalt  }
0x49: {  	_ =	shalt  }
0x4a: {  	_ =	shalt  }
0x4b: {  	_ =	shalt  }
0x4c: {  	_ =	shalt  }
0x4d: {  	_ =	shalt  }
0x4e: {  	_ =	shalt  }
0x4f: {  	_ =	shalt  }
0x50: {  	_ =	shalt  }
0x51: {  	_ =	shalt  }
0x52: {  	_ =	shalt  }
0x53: {  	_ =	shalt  }
0x54: {  	_ =	shalt  }
0x55: {  	_ =	shalt  }
0x56: {  	_ =	shalt  }
0x57: {  	_ =	shalt  }
0x58: {  	_ =	shalt  }
0x59: {  	_ =	shalt  }
0x5a: {  	_ =	shalt  }
0x5b: {  	_ =	shalt  }
0x5c: {  	_ =	shalt  }
0x5d: {  	_ =	shalt  }
0x5e: {  	_ =	shalt  }
0x5f: {  	_ =	shalt  }
0x60: {  	_ =	shalt  }
0x61: {  	_ =	shalt  }
0x62: {  	_ =	shalt  }
0x63: {  	_ =	shalt  }
0x64: {  	_ =	shalt  }
0x65: {  	_ =	shalt  }
0x66: {  	_ =	shalt  }
0x67: {  	_ =	shalt  }
0x68: {  	_ =	shalt  }
0x69: {  	_ =	shalt  }
0x6a: {  	_ =	shalt  }
0x6b: {  	_ =	shalt  }
0x6c: {  	_ =	shalt  }
0x6d: {  	_ =	shalt  }
0x6e: {  	_ =	shalt  }
0x6f: {  	_ =	shalt  }
0x70: {  	_ =	shalt  }
0x71: {  	_ =	shalt  }
0x72: {  	_ =	shalt  }
0x73: {  	_ =	shalt  }
0x74: {  	_ =	shalt  }
0x75: {  	_ =	shalt  }
0x76: {  	_ =	shalt  }
0x77: {  	_ =	shalt  }
0x78: {  	_ =	shalt  }
0x79: {  	_ =	shalt  }
0x7a: {  	_ =	shalt  }
0x7b: {  	_ =	shalt  }
0x7c: {  	_ =	shalt  }
0x7d: {  	_ =	shalt  }
0x7e: {  	_ =	shalt  }
0x7f: {  	_ =	shalt  }
0x80: {  	_ =	shalt  }
0x81: {  	_ =	shalt  }
0x82: {  	_ =	shalt  }
0x83: {  	_ =	shalt  }
0x84: {  	_ =	shalt  }
0x85: {  	_ =	shalt  }
0x86: {  	_ =	shalt  }
0x87: {  	_ =	shalt  }
.Lfunc_end0:
.L_simem_size_0:
called_computation_lowered:
.L_overlay_start_0:
0x88: {  	s2 =	sld [smem:$0x3FD9]  }
0x89: {  	s3 =	sld [smem:$0x3FFE];
	_ =	sdelay $0x1  }
0x8a: {  	s1 =	srdreg.scid  }
0x8b: {  	s0 =	sand.u32 $0x1, s1  }
0x8c: {  	s17 =	sshll.u32 s0, $0xA;
	s2 =	sadd.s32 s3, s2  }
0x8d: {  	s2 =	sadd.s32 s2, s17  }
0x8e: {  	[smem:$0x3FC0] =	sst s2  }
0x8f: {  	_ = 	snop  }
0x90: {  	s2 =	sld [smem:$0x3FD0];
	(tm) =	ssettm $0x1  }
0x91: {  	s18 =	sld [smem:$0x3FFB];
	_ =	sdelay $0x3  }
0x92: {  	_ =	strace s18  }
0x93: {  	s3 =	sld [smem:$0x3FFC];
	_ =	sdelay $0x3  }
0x94: {  	_ =	strace s3  }
0x95: {  	s3 =	sld [smem:$0x3FFD];
	_ =	sdelay $0x3  }
0x96: {  	_ =	strace s3  }
0x97: {  	_ =	strace $0x8FFFFFFF  }
0x98: {  	s19 =	sld [smem:$0x3FDB];
	_ =	sdelay $0x1  }
0x99: {  	s4 =	simm.s32 $_scs_section_size  }
0x9a: {  	s5 =	simm.s32 $_size__tile_overlayer_lowered;
	s6 =	simm.s32 $_tile_overlayer_lowered  }
0x9b: {  	s22 =	simm.s32 $0x1BFF;
	s21 =	sshll.u32 s6, $0x1;
	s3 =	sadd.s32 s4, s19  }
0x9c: {  	s7 =	simm.s32 $0x0;
	s20 =	sshll.u32 s5, $0x1;
	s5 =	sadd.s32 s21, s3  }
0x9d: {  	[timem:s7], [sflag:s22] =	dma.local [hbm:s5], s20  }
0x9e: {  	_ =	swait.ge [sflag:s22], s20  }
0x9f: {  	s4 =	ssub.s32 $0x0, s20;
	[sflag:s22] =	ssyncset.done $0x0  }
0xa0: {  	[sflag:s22] =	ssyncadd.s32 s4;
	_ =	sdelay $0x1  }
0xa1: {  	s23 =	simm.s32 $0x1B8B  }
0xa2: {  	_ =	swait.ge [sflag:s23], $0x1  }
0xa3: {  	[sflag:s23] =	ssyncset.done $0x0  }
0xa4: {  	s25 =	simm.s32 $0x1B8E;
	s24 =	sld [smem:$0x3FFE];
	[sflag:s23] =	ssyncadd.s32 $0xFFFFFFFF  }
0xa5: {  	s26 =	simm.s32 $execute0_lowered;
	[smem:$0x3FD2] =	sst s25  }
0xa6: {  	s5 =	sshll.u32 s26, $0x1;
	_ =	strace $0x80000046;
	[dreg:$0x1] =	wrdreg $0xFFFFFFFF  }
0xa7: {  	s28 =	simm.s32 $_size_execute0_lowered;
	s3 =	sadd.s32 s3, s5;
	[dreg:$0x0] =	wrdreg $0x0  }
0xa8: {  	s5 =	sshll.u32 s28, $0x1;
	[dreg:$0x2] =	wrdreg s3  }
0xa9: {  	[dreg:$0x3] =	wrdreg s5  }
0xaa: {  	[dreg:$0x4] =	wrdreg $0xC0  }
0xab: {  	_ =	task [dreg:s7], $0x5FFFF  }
0xac: {  	[dreg:$0x1] =	wrdreg $0xFFFFFFFF  }
0xad: {  	[dreg:$0x0] =	wrdreg $0x60  }
0xae: {  	[dreg:$0x2] =	wrdreg s24  }
0xaf: {  	[dreg:$0x3] =	wrdreg s2  }
0xb0: {  	[dreg:$0x4] =	wrdreg $0x3800  }
0xb1: {  	[dreg:$0x5] =	wrdreg $0x9  }
0xb2: {  	_ =	task.clear_ibuf [dreg:s7], $0x6FFFF;
	_ =	strace $0x90000046  }
0xb3: {  	s29 =	simm.s32 $0x9;
	_ =	strace $0x80000048  }
0xb4: {  	_ =	swait.ge [sflag:s29], $0x1  }
0xb5: {  	[sflag:s29] =	ssyncadd.s32 $0xFFFFFFFF  }
0xb6: {  	_ =	strace $0x90000048  }
0xb7: {  	_ =	sfence  }
0xb8: {  	s30 =	sld [smem:$0x0];
	_ =	sdelay $0x2  }
0xb9: {  	s31 =	sshll.u32 s1, $0xD;
	s1 =	sshrl.u32 s1, $0x2  }
0xba: {  	s3 =	sand.u32 $0x4000, s31;
	s1 =	sadd.s32 s1, s30  }
0xbb: {  	s0 =	sor.u32 s3, s0;
	s1 =	sshll.u32 s1, $0x11  }
0xbc: {  	s0 =	sor.u32 s1, s0  }
0xbd: {  	s0 =	sadd.s32 $0x8F2B, s0  }
0xbe: {  	[sflag:s0] =	ssyncadd.remote.s32 $0x1  }
0xbf: {  	_ =	sfence.sel $0xFFFF  }
0xc0: {  	[dreg:$0x0] =	wrdreg $0xFFFFFFFF;
	(pc) =	sbr.abs _section_cstart, $3  }
0xc1: {  	[dreg:$0x1] =	wrdreg $0xFFFFFFFF  }
0xc2: {  	_ =	task.clear_ibuf [dreg:s7], $0x2FFFF;
	_ =	strace $0x9FFFFFFF  }
0xc3: {  	(tm) =	ssettm $0x7FFFFFFF  }
tec
execute0_lowered:
.L_overlay_start_1:
0x0: {  	(tag) =	ssettag $0x1  }
0x1: {  	s4 =	rddreg [dreg:$0x0]  }
0x2: {  	s5 =	rddreg [dreg:$0x1];
	s1 =	srdreg.scid  }
0x3: {  	s0 =	stileid.u32;
	s2 =	rddreg [dreg:$0x2]  }
0x4: {  	s3 =	simm.s32 $0x0;
	s11 =	simm.s32 $0x80;
	s14 =	simm.s32 $0x20  }
0x5: {  	s15 =	simm.s32 $0x10;
	s16 =	simm.s32 $0x0;
	s7 =	smul.u32 $0x4E20, s0  }
0x6: {  	s6 =	sand.u32 $0x1, s1;
	s1 =	rddreg [dreg:$0x3];
	s28 =	smul.u32 $0x500, s0  }
0x7: {  	[smem:$0x7FF] =	sst s3;
	s9 =	smul.u32 $0xA00, s0;
	s12 =	sshll.u32 s0, $0x6  }
0x8: {  	s8 =	smul.u32 $0x2710, s6;
	_ =	strace $0x80000047;
	s10 =	sshll.u32 s6, $0x7  }
0x9: {  	s29 =	ssub.s32 $0x2, s6;
	s12 =	sor.u32 $0x1C01, s12;
	s30 =	sor.u32 s10, s28  }
0xa: {  	s31 =	sshrl.u32 s29, $0x1;
	s9 =	sshrl.u32 s9, $0x2;
	s10 =	simm.s32 $0x50  }
0xb: {  	s7 =	sadd.s32 s8, s7;
	s6 =	sshrl.u32 s30, $0x3;
	s8 =	ssub.s32 s29, s31  }
0xc: {  	s7 =	sshrl.u32 s7, $0x3;
	s5 =	sadd.s32 s5, s6;
	s6 =	smax.u32 s8, $0x1  }
0xd: {  	s8 =	simm.s32 $0x100;
	s7 =	sadd.s32 s7, s4;
	s4 =	sadd.s32 s9, s2  }
0xe: {  	v0 =	vimm.f32 $1.000000000e+00;
	v1 =	vimm.f32 $0.0e+00;
	s9 =	simm.s32 $0x1;
	s7 =	sadd.s32 $0xCE00, s7;
	s13 =	sshrl.u32 s4, $0x3  }
.LBB2_1:
0xf: {  	[tilespmem:$0x80] =	vst v0  }
0x10: {  	[tilespmem:$0x90] =	vst v0  }
0x11: {  	[tilespmem:$0xA0] =	vst v0  }
0x12: {  	[tilespmem:$0xB0] =	vst v0  }
0x13: {  	[tilespmem:$0xC0] =	vst v0  }
0x14: {  	[tilespmem:$0x100] =	vst v1  }
0x15: {  	[tilespmem:$0x110] =	vst v1  }
0x16: {  	[tilespmem:$0x120] =	vst v1  }
0x17: {  	[tilespmem:$0x130] =	vst v1  }
0x18: {  	[tilespmem:$0x140] =	vst v1  }
0x19: {  	[tilespmem:$0x150] =	vst v1  }
0x1a: {  	[tilespmem:$0x160] =	vst v1  }
0x1b: {  	[tilespmem:$0x170] =	vst v1  }
0x1c: {  	[tilespmem:$0x180] =	vst v1  }
0x1d: {  	[tilespmem:$0x190] =	vst v1  }
0x1e: {  	[tilespmem:$0x1A0] =	vst v1  }
0x1f: {  	[tilespmem:$0x1B0] =	vst v1  }
0x20: {  	[tilespmem:$0x1C0] =	vst v1  }
0x21: {  	[tilespmem:$0x1D0] =	vst v1  }
0x22: {  	[tilespmem:$0x1E0] =	vst v1  }
0x23: {  	[tilespmem:$0x1F0] =	vst v1  }
0x24: {  	[tilespmem:$0x200] =	vst v1  }
0x25: {  	[tilespmem:$0x210] =	vst v1  }
0x26: {  	[tilespmem:$0x220] =	vst v1  }
0x27: {  	[tilespmem:$0x230] =	vst v1  }
0x28: {  	[tilespmem:$0x240] =	vst v1  }
0x29: {  	[tilespmem:$0x250] =	vst v1  }
0x2a: {  	[tilespmem:$0x260] =	vst v1  }
0x2b: {  	[tilespmem:$0x270] =	vst v1  }
0x2c: {  	[tilespmem:$0x280] =	vst v1  }
0x2d: {  	[tilespmem:$0x290] =	vst v1  }
0x2e: {  	[tilespmem:$0x2A0] =	vst v1  }
0x2f: {  	[tilespmem:$0x2B0] =	vst v1  }
0x30: {  	[tilespmem:$0x2C0] =	vst v1  }
0x31: {  	[tilespmem:$0x2D0] =	vst v1  }
0x32: {  	[tilespmem:$0x2E0] =	vst v1  }
0x33: {  	[tilespmem:$0x2F0] =	vst v1  }
0x34: {  	[tilespmem:$0x300] =	vst v1  }
0x35: {  	[tilespmem:$0x310] =	vst v1  }
0x36: {  	[tilespmem:$0x320] =	vst v1  }
0x37: {  	[tilespmem:$0x330] =	vst v1  }
0x38: {  	[tilespmem:$0x340] =	vst v1  }
0x39: {  	[tilespmem:$0x350] =	vst v1  }
0x3a: {  	[tilespmem:$0x360] =	vst v1  }
0x3b: {  	[tilespmem:$0x370] =	vst v1  }
0x3c: {  	[spmem:s4] =	stream.linear.scatter [tilespmem:s8], [sflag:$0x1], $0x280, $0x38;
	[tilespmem:$0x600] =	vst v63  }
0x3d: {  	_ =	swait.ge [sflag:s9], $0x280  }
0x3e: {  	[sflag:s9] =	ssyncset.done $0x0  }
0x3f: {  	[sflag:s9] =	ssyncadd.s32 $0xFFFFFD80  }
0x40: {  	s17 =	sadd.s32 $0x0, s7;
	[bflag:$0x0] =	sbarrier.arrive $0xFFFF  }
0x41: {  	[tilespmem:s3], [sflag:$0x1] =	stream.linear.gather [hbm4b:s17+s3], $0x50, $0x38;
	[tilespmem:$0x600] =	vst v63  }
0x42: {  	_ =	swait.ge [sflag:s9], $0x50  }
0x43: {  	[sflag:s9] =	ssyncset.done $0x0  }
0x44: {  	[sflag:s9] =	ssyncadd.s32 $0xFFFFFFB0  }
0x45: {  	[spmem:s2] =	stream.indirect.scatter.add.f32 [tilespmem:s11], [sflag:$0x1], $0x1, s3, s10, $0xb8;
	[tilespmem:$0x600] =	vst v63  }
0x46: {  	_ =	swait.ge [sflag:s9], $0x50  }
0x47: {  	s18 =	simm.s32 $0x14;
	s17 =	simm.s32 $0xA;
	[sflag:s9] =	ssyncset.done $0x0  }
.LBB2_2:
0x48: {  	s19 =	sadd.s32 s17, s7  }
0x49: {  	[sflag:s9] =	ssyncadd.s32 $0xFFFFFFB0;
	s17 =	smov.u32 s18;
	s20 =	sadd.s32 $0xA, s18  }
0x4a: {  	[tilespmem:s3], [sflag:$0x1] =	stream.linear.gather [hbm4b:s19+s3], $0x50, $0x38;
	[tilespmem:$0x600] =	vst v63  }
0x4b: {  	p0 =	sne.s32 s18, $0x4D8;
	_ =	swait.ge [sflag:s9], $0x50  }
.Ltmp0:
0x4c: {  	[sflag:s9] =	ssyncset.done $0x0;
	(pc) =	sbr.rel @p0 .LBB2_2-.Ltmp0, $4  }
0x4d: {  	[sflag:s9] =	ssyncadd.s32 $0xFFFFFFB0  }
0x4e: {  	[spmem:s2] =	stream.indirect.scatter.add.f32 [tilespmem:s11], [sflag:$0x1], $0x1, s3, s10, $0xb8;
	[tilespmem:$0x600] =	vst v63  }
0x4f: {  	_ =	swait.ge [sflag:s9], $0x50  }
0x50: {  	s18 =	smov.u32 s20;
	[sflag:s9] =	ssyncset.done $0x0  }
0x51: {  	s17 =	sadd.s32 s17, s7;
	[sflag:s9] =	ssyncadd.s32 $0xFFFFFFB0  }
0x52: {  	[tilespmem:s3], [sflag:$0x1] =	stream.linear.gather [hbm4b:s17+s3], $0x50, $0x38;
	[tilespmem:$0x600] =	vst v63  }
0x53: {  	_ =	swait.ge [sflag:s9], $0x50  }
0x54: {  	[sflag:s9] =	ssyncset.done $0x0  }
0x55: {  	[sflag:s9] =	ssyncadd.s32 $0xFFFFFFB0  }
0x56: {  	[spmem:s2] =	stream.indirect.scatter.add.f32 [tilespmem:s11], [sflag:$0x1], $0x1, s3, s10, $0xb8;
	[tilespmem:$0x600] =	vst v63  }
0x57: {  	_ =	swait.ge [sflag:s9], $0x50  }
0x58: {  	s16 =	sadd.s32 $0x1, s16;
	[sflag:s9] =	ssyncset.done $0x0  }
0x59: {  	p0 =	sne.s32 s16, s6;
	[sflag:s9] =	ssyncadd.s32 $0xFFFFFFB0  }
.Ltmp1:
0x5a: {  	[bflag:$0x0] =	sbarrier.arrive $0xFFFF;
	(pc) =	sbr.rel @p0 .LBB2_1-.Ltmp1, $4  }
0x5b: {  	[hbm:s5@s14], [sflag:s12] =	dma.strided [spmem:s13@s15], $0x50, s9, $0x10   }
0x5c: {  	_ =	swait.ge [sflag:s9], $0x50  }
0x5d: {  	[sflag:s9] =	ssyncset.done $0x0  }
0x5e: {  	[sflag:s9] =	ssyncadd.s32 $0xFFFFFFB0  }
0x5f: {  	_ =	sfence.sel $0x180000  }
0x60: {  	[bflag:$0x0] =	sbarrier.arrive $0xFFFF  }
0x61: {  	p0 =	sne.s32 s0, $0x0;
	_ =	strace $0x90000047  }
0x62: {  	s0 =	sadd.s32 @!p0 $0x100000, s1;
	[bflag:$0x2] =	sbarrier.arrive $0xFFFF  }
0x63: {  	[sflag:s0] =	ssyncadd.tile.s32 @!p0 $0x1;
	_ =	shalt  }
.Lfunc_end2:
_tile_overlayer_lowered:
.L_overlay_start_2:
0x64: {  	(tag) =	ssettag $0x2  }
0x65: {  	s0 =	rddreg [dreg:$0x0];
	s2 =	stileid.u32  }
0x66: {  	s1 =	rddreg [dreg:$0x1];
	p0 =	sne.s32 s2, $0x0  }
0x67: {  	s3 =	rddreg [dreg:$0x2];
	[bflag:$0x3] =	sbarrier.arrive $0xFFFF;
	s2 =	simm.s32 @!p0 $0x1C01  }
0x68: {  	[timem:s3], [sflag:s2] =	dma.local @!p0 [hbm:s0], s1  }
0x69: {  	s0 =	simm.s32 @!p0 $0x1  }
0x6a: {  	_ =	swait.ge @!p0 [sflag:s0], s1  }
0x6b: {  	s1 =	ssub.s32 @!p0 $0x0, s1;
	[sflag:s0] =	ssyncset.done @!p0 $0x0  }
0x6c: {  	[sflag:s0] =	ssyncadd.s32 @!p0 s1  }
0x6d: {  	[bflag:$0x3] =	sbarrier.arrive $0xFFFF  }
0x6e: {  	_ =	shalt  }

</sc_bundles>
